<compile_context>
chip_gen: v7x
topology: tpu7x:2x2x1
jax: 0.10.2.dev20260603
libtpu: 0.0.44.dev20260713+nightly
codegen_flags: <defaults>
</compile_context>

<pallas_src>
import functools

import jax
import jax.numpy as jnp
from jax import lax
from jax.experimental import pallas as pl
from jax.experimental.pallas import tpu as pltpu
from jax.experimental.pallas import tpu_sc as plsc

_NC = 2
_NS = 16
_C2 = 112
_CHUNK = 80


def _pad_rows(n):
    g = _NS * 8
    return ((n + g - 1) // g) * g


def _pad_edges(a, fill):
    e = a.shape[0]
    nw = _NC * _NS
    assert e % nw == 0, e
    per = e // nw
    cpt = -(-per // (_C2 * 4)) * 4
    pad = cpt * _C2 - per
    a2 = a.reshape(nw, per)
    if pad:
        a2 = jnp.concatenate(
            [a2, jnp.full((nw, pad), fill, a.dtype)], axis=1)
    return a2.reshape(nw, cpt, _C2), cpt


def _sc_degree(dst2, cpt, n_nodes):
    n_pad = _pad_rows(n_nodes)
    rpt = n_pad // _NS

    mesh = plsc.VectorSubcoreMesh(core_axis_name="c", subcore_axis_name="s")

    @functools.partial(
        pl.kernel,
        out_type=jax.ShapeDtypeStruct((_NC * n_pad,), jnp.float32),
        mesh=mesh,
        scratch_types=[
            pltpu.VMEM((cpt, _C2), jnp.int32),
            pltpu.VMEM((_C2,), jnp.float32),
            pltpu.VMEM((rpt,), jnp.float32),
            pltpu.VMEM_SHARED((n_pad,), jnp.float32),
            pltpu.SemaphoreType.DMA,
        ],
    )
    def deg_kernel(dst_hbm, ones_h, zeros_h, out_hbm, didx_v, ones_v,
                   stage_v, acc_sh, sem):
        cid = lax.axis_index("c")
        sid = lax.axis_index("s")
        wid = cid * _NS + sid
        pltpu.sync_copy(zeros_h.at[pl.ds(sid * rpt, rpt)], stage_v)
        pltpu.sync_copy(stage_v, acc_sh.at[pl.ds(sid * rpt, rpt)])
        pltpu.sync_copy(ones_h, ones_v)
        pltpu.sync_copy(dst_hbm.at[wid], didx_v)
        plsc.subcore_barrier()

        def body(i, carry):
            descs = [
                pltpu.async_copy(ones_v, acc_sh.at[didx_v.at[i * 4 + k]],
                                 sem, add=True)
                for k in range(4)
            ]
            for desc in descs:
                desc.wait()
            return carry

        lax.fori_loop(0, cpt // 4, body, 0)
        plsc.subcore_barrier()
        pltpu.sync_copy(acc_sh.at[pl.ds(sid * rpt, rpt)], stage_v)
        pltpu.sync_copy(stage_v,
                        out_hbm.at[pl.ds(cid * n_pad + sid * rpt, rpt)])

    ones = jnp.ones((_C2,), jnp.float32)
    zeros = jnp.zeros((n_pad,), jnp.float32)
    return deg_kernel(dst2, ones, zeros)


def _sc_propagate(table, src_i32, dst_i32):
    n_nodes, d = table.shape
    e = src_i32.shape[0]
    nw = _NC * _NS
    assert e % (nw * _CHUNK) == 0, e
    per_tile = e // nw
    cpt = per_tile // _CHUNK
    n_pad = _pad_rows(n_nodes)
    rpt = n_pad // _NS
    nb = 4
    groups = cpt // nb
    tail = cpt - nb * groups

    mesh = plsc.VectorSubcoreMesh(core_axis_name="c", subcore_axis_name="s")

    @functools.partial(
        pl.kernel,
        out_type=jax.ShapeDtypeStruct((_NC, n_pad, d), jnp.float32),
        mesh=mesh,
        scratch_types=[
            [pltpu.VMEM((_CHUNK,), jnp.int32)] * 4,
            [pltpu.VMEM((_CHUNK,), jnp.int32)] * 4,
            [pltpu.VMEM((_CHUNK, d), jnp.float32)] * 4,
            pltpu.VMEM_SHARED((n_pad, d), jnp.float32),
            [pltpu.SemaphoreType.DMA] * 4,
        ],
    )
    def prop_kernel(table_hbm, src_hbm, dst_hbm, zeros_h, out_hbm,
                    sidx_v, didx_v, rows_v, acc_sh, semg):
        cid = lax.axis_index("c")
        sid = lax.axis_index("s")
        wid = cid * _NS + sid
        pltpu.sync_copy(zeros_h.at[pl.ds(sid * rpt, rpt)],
                        acc_sh.at[pl.ds(sid * rpt, rpt)])
        plsc.subcore_barrier()
        base0 = wid * per_tile

        def load_and_gather(j, k):
            base = base0 + j * _CHUNK
            pltpu.sync_copy(src_hbm.at[pl.ds(base, _CHUNK)], sidx_v[k])
            pltpu.sync_copy(dst_hbm.at[pl.ds(base, _CHUNK)], didx_v[k])
            return pltpu.async_copy(table_hbm.at[sidx_v[k]],
                                    rows_v[k], semg[k])

        def body(i, carry):
            gs = [load_and_gather(nb * i + k, k) for k in range(nb)]
            for k in range(nb):
                gs[k].wait()
                pltpu.sync_copy(rows_v[k], acc_sh.at[didx_v[k]], add=True)
            return carry

        lax.fori_loop(0, groups, body, 0)
        if tail:
            gs = [load_and_gather(nb * groups + k, k) for k in range(tail)]
            for k in range(tail):
                gs[k].wait()
                pltpu.sync_copy(rows_v[k], acc_sh.at[didx_v[k]], add=True)
        plsc.subcore_barrier()
        pltpu.sync_copy(acc_sh.at[pl.ds(sid * rpt, rpt)],
                        out_hbm.at[cid, pl.ds(sid * rpt, rpt)])

    zeros = jnp.zeros((n_pad, d), jnp.float32)
    return prop_kernel(table, src_i32, dst_i32, zeros)


_ROWS = 1000


def _tc_pre(x, deg0, deg1, w):
    n, d = x.shape
    dout = w.shape[1]
    assert n % _ROWS == 0

    def body(x_ref, d0_ref, d1_ref, w_ref, o_ref):
        dinv = lax.rsqrt(d0_ref[...] + d1_ref[...] + 1.0)
        o_ref[...] = jnp.dot(x_ref[...] * dinv, w_ref[...],
                             preferred_element_type=jnp.float32)

    return pl.pallas_call(
        body,
        grid=(n // _ROWS,),
        in_specs=[
            pl.BlockSpec((_ROWS, d), lambda i: (i, 0)),
            pl.BlockSpec((_ROWS, 1), lambda i: (i, 0)),
            pl.BlockSpec((_ROWS, 1), lambda i: (i, 0)),
            pl.BlockSpec((d, dout), lambda i: (0, 0)),
        ],
        out_specs=pl.BlockSpec((_ROWS, dout), lambda i: (i, 0)),
        out_shape=jax.ShapeDtypeStruct((n, dout), jnp.float32),
    )(x, deg0, deg1, w)


def _tc_mid(p0, p1, z, deg0, deg1, b, w):
    n, d = z.shape
    dout = w.shape[1]

    def body(p0_ref, p1_ref, z_ref, d0_ref, d1_ref, b_ref, w_ref, o_ref):
        dinv = lax.rsqrt(d0_ref[...] + d1_ref[...] + 1.0)
        pre = (p0_ref[...] + p1_ref[...] + z_ref[...]) * dinv + b_ref[...]
        h = jnp.maximum(pre, 0.0) * dinv
        o_ref[...] = jnp.dot(h, w_ref[...], preferred_element_type=jnp.float32)

    return pl.pallas_call(
        body,
        grid=(n // _ROWS,),
        in_specs=[
            pl.BlockSpec((_ROWS, d), lambda i: (i, 0)),
            pl.BlockSpec((_ROWS, d), lambda i: (i, 0)),
            pl.BlockSpec((_ROWS, d), lambda i: (i, 0)),
            pl.BlockSpec((_ROWS, 1), lambda i: (i, 0)),
            pl.BlockSpec((_ROWS, 1), lambda i: (i, 0)),
            pl.BlockSpec((1, d), lambda i: (0, 0)),
            pl.BlockSpec((d, dout), lambda i: (0, 0)),
        ],
        out_specs=pl.BlockSpec((_ROWS, dout), lambda i: (i, 0)),
        out_shape=jax.ShapeDtypeStruct((n, dout), jnp.float32),
    )(p0, p1, z, deg0, deg1, b, w)


def _tc_post(p0, p1, z, deg0, deg1, b, wh, bh):
    n, d = z.shape
    dout = wh.shape[1]

    def body(p0_ref, p1_ref, z_ref, d0_ref, d1_ref, b_ref, wh_ref, bh_ref,
             o_ref):
        dinv = lax.rsqrt(d0_ref[...] + d1_ref[...] + 1.0)
        pre = (p0_ref[...] + p1_ref[...] + z_ref[...]) * dinv + b_ref[...]
        h = jnp.maximum(pre, 0.0)
        o_ref[...] = jnp.dot(h, wh_ref[...],
                             preferred_element_type=jnp.float32) + bh_ref[...]

    return pl.pallas_call(
        body,
        grid=(n // _ROWS,),
        in_specs=[
            pl.BlockSpec((_ROWS, d), lambda i: (i, 0)),
            pl.BlockSpec((_ROWS, d), lambda i: (i, 0)),
            pl.BlockSpec((_ROWS, d), lambda i: (i, 0)),
            pl.BlockSpec((_ROWS, 1), lambda i: (i, 0)),
            pl.BlockSpec((_ROWS, 1), lambda i: (i, 0)),
            pl.BlockSpec((1, d), lambda i: (0, 0)),
            pl.BlockSpec((d, dout), lambda i: (0, 0)),
            pl.BlockSpec((1, dout), lambda i: (0, 0)),
        ],
        out_specs=pl.BlockSpec((_ROWS, dout), lambda i: (i, 0)),
        out_shape=jax.ShapeDtypeStruct((n, dout), jnp.float32),
    )(p0, p1, z, deg0, deg1, b, wh, bh)


def kernel(x, edge_index, W1, b1, W2, b2, Wh, bh):
    n, d = x.shape
    src = edge_index[0].astype(jnp.int32)
    dst = edge_index[1].astype(jnp.int32)
    dst2, cpt = _pad_edges(dst, n)

    n_pad = _pad_rows(n)
    deg2 = _sc_degree(dst2, cpt, n).reshape(_NC, n_pad, 1)
    deg_a, deg_b = deg2[0], deg2[1]

    z1 = _tc_pre(x, deg_a, deg_b, W1)
    pp = _sc_propagate(z1, src, dst)
    z2 = _tc_mid(pp[0], pp[1], z1, deg_a, deg_b, b1.reshape(1, -1), W2)
    qq = _sc_propagate(z2, src, dst)
    out = _tc_post(qq[0], qq[1], z2, deg_a, deg_b, b2.reshape(1, -1),
                   Wh, bh.reshape(1, -1))
    return out

# --- scband reference (transcript-rebuilt; emitter-appended) ---
"""Pipeline reference for scband-example-gnn-50328426775078 (READ-ONLY COPY).

The authoritative reference and input builder live on the scoring server;
editing this copy changes nothing except your own understanding.
"""

import jax, jax.numpy as jnp
import numpy as np

N = 10000
E = 320000
D_IN = 128
D_OUT = 64


def gcn_conv(x, src, dst, W, b, n_nodes):
    # GCNConv: x' = D^{-1/2} (A + I) D^{-1/2} X W + b  (self-loops already in src/dst)
    xw = x @ W
    ones = jnp.ones(src.shape[0], dtype=x.dtype)
    deg = jax.ops.segment_sum(ones, dst, num_segments=n_nodes)
    dinv = jnp.where(deg > 0, 1.0 / jnp.sqrt(deg), 0.0)
    norm = dinv[src] * dinv[dst]
    msg = xw[src] * norm[:, None]
    out = jax.ops.segment_sum(msg, dst, num_segments=n_nodes)
    return out + b


def setup_inputs(seed: int = 0) -> dict:
    key = jax.random.key(seed)
    ks = jax.random.split(key, 8)
    x = jax.random.normal(ks[0], (N, D_IN), dtype=jnp.float32)
    edge_index = jax.random.randint(ks[1], (2, E), 0, N, dtype=jnp.int64)
    s1 = 1.0 / np.sqrt(D_IN)
    W1 = jax.random.uniform(ks[2], (D_IN, D_IN), jnp.float32, -s1, s1)
    b1 = jnp.zeros((D_IN,), jnp.float32)
    W2 = jax.random.uniform(ks[3], (D_IN, D_IN), jnp.float32, -s1, s1)
    b2 = jnp.zeros((D_IN,), jnp.float32)
    Wh = jax.random.uniform(ks[4], (D_IN, D_OUT), jnp.float32, -s1, s1)
    bh = jnp.zeros((D_OUT,), jnp.float32)
    return {"x": x, "edge_index": edge_index, "W1": W1, "b1": b1, "W2": W2, "b2": b2, "Wh": Wh, "bh": bh}


def reference(x, edge_index, W1, b1, W2, b2, Wh, bh):
    # add self-loops once (shared across both GCN layers)
    loops = jnp.arange(N, dtype=edge_index.dtype)
    src = jnp.concatenate([edge_index[0], loops])
    dst = jnp.concatenate([edge_index[1], loops])
    h = gcn_conv(x, src, dst, W1, b1, N)
    h = jax.nn.relu(h)  # dropout p=0.1 is identity in eval mode
    h = gcn_conv(h, src, dst, W2, b2, N)
    h = jax.nn.relu(h)
    out = h @ Wh + bh  # node-level GNN head (linear post_mp)
    return out

if __name__ == "__main__":
    import jax
    _d = setup_inputs()
    print(jax.jit(kernel)(*tuple(_d.values())))

</pallas_src>

<mosaic_0001>
#map = affine_map<(d0, d1) -> (0, 0)>
#map1 = affine_map<(d0, d1) -> (0)>
#map2 = affine_map<(d0, d1) -> (0, 0, 0)>
module attributes {stable_mosaic.version = 14 : i64} {
  func.func @prop_kernel(%arg0: i32, %arg1: i32, %arg2: memref<10000x128xf32, #tpu.memory_space<hbm>>, %arg3: memref<320000xi32, #tpu.memory_space<hbm>>, %arg4: memref<320000xi32, #tpu.memory_space<hbm>>, %arg5: memref<10112x128xf32, #tpu.memory_space<hbm>>, %arg6: memref<2x10112x128xf32, #tpu.memory_space<hbm>>, %arg7: memref<80xi32, #tpu.memory_space<vmem>>, %arg8: memref<80xi32, #tpu.memory_space<vmem>>, %arg9: memref<80xi32, #tpu.memory_space<vmem>>, %arg10: memref<80xi32, #tpu.memory_space<vmem>>, %arg11: memref<80xi32, #tpu.memory_space<vmem>>, %arg12: memref<80xi32, #tpu.memory_space<vmem>>, %arg13: memref<80xi32, #tpu.memory_space<vmem>>, %arg14: memref<80xi32, #tpu.memory_space<vmem>>, %arg15: memref<80x128xf32, #tpu.memory_space<vmem>>, %arg16: memref<80x128xf32, #tpu.memory_space<vmem>>, %arg17: memref<80x128xf32, #tpu.memory_space<vmem>>, %arg18: memref<80x128xf32, #tpu.memory_space<vmem>>, %arg19: memref<10112x128xf32, #tpu.memory_space<vmem_shared>>, %arg20: memref<!tpu.dma_semaphore, #tpu.memory_space<semaphore_mem>>, %arg21: memref<!tpu.dma_semaphore, #tpu.memory_space<semaphore_mem>>, %arg22: memref<!tpu.dma_semaphore, #tpu.memory_space<semaphore_mem>>, %arg23: memref<!tpu.dma_semaphore, #tpu.memory_space<semaphore_mem>>) attributes {dimension_semantics = [#tpu.dimension_semantics<core_parallel>, #tpu.dimension_semantics<subcore_parallel>], iteration_bounds = array<i64: 2, 16>, scalar_prefetch = 0 : i64, scratch_operands = 17 : i64, tpu.core_type = #tpu.core_type<sc_vector_subcore>, window_params = [{transform_indices = #map}, {transform_indices = #map1}, {transform_indices = #map1}, {transform_indices = #map}, {transform_indices = #map2}]} {
    %mul3A = arith.constant 16 : i32
    %mul3A_0 = arith.muli %arg0, %mul3A : i32
    %add3A = arith.addi %mul3A_0, %arg1 : i32
    %mul3A_1 = arith.constant 632 : i32
    %mul3A_2 = arith.muli %arg1, %mul3A_1 : i32
    %mul3A_3 = arith.constant 632 : i32
    %mul3A_4 = arith.muli %arg1, %mul3A_3 : i32
    "tpu.region"() ({
      %run_scoped3A = tpu.sem_alloc : memref<!tpu.dma_semaphore, #tpu.memory_space<semaphore_mem>>
      %dma_start3A_23 = arith.constant 0 : i32
      %dma_start3A_24 = tpu.memref_slice %arg19[%mul3A_4, %dma_start3A_23] : memref<10112x128xf32, #tpu.memory_space<vmem_shared>> -> memref<632x128xf32, #tpu.memory_space<vmem_shared>>
      %dma_start3A_25 = arith.constant 0 : i32
      %dma_start3A_26 = tpu.memref_slice %arg5[%mul3A_2, %dma_start3A_25] : memref<10112x128xf32, #tpu.memory_space<hbm>> -> memref<632x128xf32, #tpu.memory_space<hbm>>
      tpu.enqueue_dma source(%dma_start3A_26 : memref<632x128xf32, #tpu.memory_space<hbm>>) target(%dma_start3A_24 : memref<632x128xf32, #tpu.memory_space<vmem_shared>>) target_semaphore(%run_scoped3A : memref<!tpu.dma_semaphore, #tpu.memory_space<semaphore_mem>>)
      %dma_wait3A_27 = arith.constant 0 : i32
      %dma_wait3A_28 = tpu.memref_slice %arg19[%mul3A_4, %dma_wait3A_27] : memref<10112x128xf32, #tpu.memory_space<vmem_shared>> -> memref<632x128xf32, #tpu.memory_space<vmem_shared>>
      %dma_wait3A_29 = arith.constant 0 : i32
      %dma_wait3A_30 = tpu.memref_slice %arg5[%mul3A_2, %dma_wait3A_29] : memref<10112x128xf32, #tpu.memory_space<hbm>> -> memref<632x128xf32, #tpu.memory_space<hbm>>
      tpu.wait_dma2 semaphore(%run_scoped3A : memref<!tpu.dma_semaphore, #tpu.memory_space<semaphore_mem>>) src(%dma_wait3A_30 : memref<632x128xf32, #tpu.memory_space<hbm>>) dst(%dma_wait3A_28 : memref<632x128xf32, #tpu.memory_space<vmem_shared>>)
      tpu.yield
    }) : () -> ()
    %barrier3A = arith.constant 0 : index
    tpu.barrier barrier_id(%barrier3A)
    %mul3A_5 = arith.constant 10000 : i32
    %mul3A_6 = arith.muli %add3A, %mul3A_5 : i32
    %scan3A = arith.constant 0 : i32
    %scan3A_7 = arith.constant 0 : i32
    %scan3A_8 = arith.constant 31 : i32
    %scan3A_9 = arith.addi %scan3A_7, %scan3A_8 : i32
    %scan3A_10 = arith.constant 1 : i32
    scf.for %scan3A_23 = %scan3A_7 to %scan3A_9 step %scan3A_10  : i32 {
      %mul3A_24 = arith.constant 4 : i32
      %mul3A_25 = arith.muli %mul3A_24, %scan3A_23 : i32
      %add3A_26 = arith.constant 0 : i32
      %add3A_27 = arith.addi %mul3A_25, %add3A_26 : i32
      %mul3A_28 = arith.constant 80 : i32
      %mul3A_29 = arith.muli %add3A_27, %mul3A_28 : i32
      %add3A_30 = arith.addi %mul3A_6, %mul3A_29 : i32
      "tpu.region"() ({
        %run_scoped3A = tpu.sem_alloc : memref<!tpu.dma_semaphore, #tpu.memory_space<semaphore_mem>>
        %dma_start3A_76 = tpu.memref_slice %arg3[%add3A_30] : memref<320000xi32, #tpu.memory_space<hbm>> -> memref<80xi32, #tpu.memory_space<hbm>>
        %dma_start3A_77 = tpu.memref_slice %arg3[%add3A_30] : memref<320000xi32, #tpu.memory_space<hbm>> -> memref<80xi32, #tpu.memory_space<hbm>>
        tpu.enqueue_dma source(%dma_start3A_77 : memref<80xi32, #tpu.memory_space<hbm>>) target(%arg7 : memref<80xi32, #tpu.memory_space<vmem>>) target_semaphore(%run_scoped3A : memref<!tpu.dma_semaphore, #tpu.memory_space<semaphore_mem>>)
        %dma_wait3A_78 = tpu.memref_slice %arg3[%add3A_30] : memref<320000xi32, #tpu.memory_space<hbm>> -> memref<80xi32, #tpu.memory_space<hbm>>
        %dma_wait3A_79 = tpu.memref_slice %arg3[%add3A_30] : memref<320000xi32, #tpu.memory_space<hbm>> -> memref<80xi32, #tpu.memory_space<hbm>>
        tpu.wait_dma2 semaphore(%run_scoped3A : memref<!tpu.dma_semaphore, #tpu.memory_space<semaphore_mem>>) src(%dma_wait3A_79 : memref<80xi32, #tpu.memory_space<hbm>>) dst(%arg7 : memref<80xi32, #tpu.memory_space<vmem>>)
        tpu.yield
      }) : () -> ()
      "tpu.region"() ({
        %run_scoped3A = tpu.sem_alloc : memref<!tpu.dma_semaphore, #tpu.memory_space<semaphore_mem>>
        %dma_start3A_76 = tpu.memref_slice %arg4[%add3A_30] : memref<320000xi32, #tpu.memory_space<hbm>> -> memref<80xi32, #tpu.memory_space<hbm>>
        %dma_start3A_77 = tpu.memref_slice %arg4[%add3A_30] : memref<320000xi32, #tpu.memory_space<hbm>> -> memref<80xi32, #tpu.memory_space<hbm>>
        tpu.enqueue_dma source(%dma_start3A_77 : memref<80xi32, #tpu.memory_space<hbm>>) target(%arg11 : memref<80xi32, #tpu.memory_space<vmem>>) target_semaphore(%run_scoped3A : memref<!tpu.dma_semaphore, #tpu.memory_space<semaphore_mem>>)
        %dma_wait3A_78 = tpu.memref_slice %arg4[%add3A_30] : memref<320000xi32, #tpu.memory_space<hbm>> -> memref<80xi32, #tpu.memory_space<hbm>>
        %dma_wait3A_79 = tpu.memref_slice %arg4[%add3A_30] : memref<320000xi32, #tpu.memory_space<hbm>> -> memref<80xi32, #tpu.memory_space<hbm>>
        tpu.wait_dma2 semaphore(%run_scoped3A : memref<!tpu.dma_semaphore, #tpu.memory_space<semaphore_mem>>) src(%dma_wait3A_79 : memref<80xi32, #tpu.memory_space<hbm>>) dst(%arg11 : memref<80xi32, #tpu.memory_space<vmem>>)
        tpu.yield
      }) : () -> ()
      %dma_start3A_31 = arith.constant 0 : i32
      %dma_start3A_32 = arith.constant 0 : i32
      %dma_start3A_33 = tpu.memref_slice %arg2[%dma_start3A_31, %dma_start3A_32] : memref<10000x128xf32, #tpu.memory_space<hbm>> -> memref<10000x128xf32, #tpu.memory_space<hbm>>
      tpu.enqueue_indirect_dma source(%dma_start3A_33 : memref<10000x128xf32, #tpu.memory_space<hbm>>) target(%arg15 : memref<80x128xf32, #tpu.memory_space<vmem>>) offsets(%arg7 : memref<80xi32, #tpu.memory_space<vmem>>) semaphore(%arg20 : memref<!tpu.dma_semaphore, #tpu.memory_space<semaphore_mem>>)
      %mul3A_34 = arith.constant 4 : i32
      %mul3A_35 = arith.muli %mul3A_34, %scan3A_23 : i32
      %add3A_36 = arith.constant 1 : i32
      %add3A_37 = arith.addi %mul3A_35, %add3A_36 : i32
      %mul3A_38 = arith.constant 80 : i32
      %mul3A_39 = arith.muli %add3A_37, %mul3A_38 : i32
      %add3A_40 = arith.addi %mul3A_6, %mul3A_39 : i32
      "tpu.region"() ({
        %run_scoped3A = tpu.sem_alloc : memref<!tpu.dma_semaphore, #tpu.memory_space<semaphore_mem>>
        %dma_start3A_76 = tpu.memref_slice %arg3[%add3A_40] : memref<320000xi32, #tpu.memory_space<hbm>> -> memref<80xi32, #tpu.memory_space<hbm>>
        %dma_start3A_77 = tpu.memref_slice %arg3[%add3A_40] : memref<320000xi32, #tpu.memory_space<hbm>> -> memref<80xi32, #tpu.memory_space<hbm>>
        tpu.enqueue_dma source(%dma_start3A_77 : memref<80xi32, #tpu.memory_space<hbm>>) target(%arg8 : memref<80xi32, #tpu.memory_space<vmem>>) target_semaphore(%run_scoped3A : memref<!tpu.dma_semaphore, #tpu.memory_space<semaphore_mem>>)
        %dma_wait3A_78 = tpu.memref_slice %arg3[%add3A_40] : memref<320000xi32, #tpu.memory_space<hbm>> -> memref<80xi32, #tpu.memory_space<hbm>>
        %dma_wait3A_79 = tpu.memref_slice %arg3[%add3A_40] : memref<320000xi32, #tpu.memory_space<hbm>> -> memref<80xi32, #tpu.memory_space<hbm>>
        tpu.wait_dma2 semaphore(%run_scoped3A : memref<!tpu.dma_semaphore, #tpu.memory_space<semaphore_mem>>) src(%dma_wait3A_79 : memref<80xi32, #tpu.memory_space<hbm>>) dst(%arg8 : memref<80xi32, #tpu.memory_space<vmem>>)
        tpu.yield
      }) : () -> ()
      "tpu.region"() ({
        %run_scoped3A = tpu.sem_alloc : memref<!tpu.dma_semaphore, #tpu.memory_space<semaphore_mem>>
        %dma_start3A_76 = tpu.memref_slice %arg4[%add3A_40] : memref<320000xi32, #tpu.memory_space<hbm>> -> memref<80xi32, #tpu.memory_space<hbm>>
        %dma_start3A_77 = tpu.memref_slice %arg4[%add3A_40] : memref<320000xi32, #tpu.memory_space<hbm>> -> memref<80xi32, #tpu.memory_space<hbm>>
        tpu.enqueue_dma source(%dma_start3A_77 : memref<80xi32, #tpu.memory_space<hbm>>) target(%arg12 : memref<80xi32, #tpu.memory_space<vmem>>) target_semaphore(%run_scoped3A : memref<!tpu.dma_semaphore, #tpu.memory_space<semaphore_mem>>)
        %dma_wait3A_78 = tpu.memref_slice %arg4[%add3A_40] : memref<320000xi32, #tpu.memory_space<hbm>> -> memref<80xi32, #tpu.memory_space<hbm>>
        %dma_wait3A_79 = tpu.memref_slice %arg4[%add3A_40] : memref<320000xi32, #tpu.memory_space<hbm>> -> memref<80xi32, #tpu.memory_space<hbm>>
        tpu.wait_dma2 semaphore(%run_scoped3A : memref<!tpu.dma_semaphore, #tpu.memory_space<semaphore_mem>>) src(%dma_wait3A_79 : memref<80xi32, #tpu.memory_space<hbm>>) dst(%arg12 : memref<80xi32, #tpu.memory_space<vmem>>)
        tpu.yield
      }) : () -> ()
      %dma_start3A_41 = arith.constant 0 : i32
      %dma_start3A_42 = arith.constant 0 : i32
      %dma_start3A_43 = tpu.memref_slice %arg2[%dma_start3A_41, %dma_start3A_42] : memref<10000x128xf32, #tpu.memory_space<hbm>> -> memref<10000x128xf32, #tpu.memory_space<hbm>>
      tpu.enqueue_indirect_dma source(%dma_start3A_43 : memref<10000x128xf32, #tpu.memory_space<hbm>>) target(%arg16 : memref<80x128xf32, #tpu.memory_space<vmem>>) offsets(%arg8 : memref<80xi32, #tpu.memory_space<vmem>>) semaphore(%arg21 : memref<!tpu.dma_semaphore, #tpu.memory_space<semaphore_mem>>)
      %mul3A_44 = arith.constant 4 : i32
      %mul3A_45 = arith.muli %mul3A_44, %scan3A_23 : i32
      %add3A_46 = arith.constant 2 : i32
      %add3A_47 = arith.addi %mul3A_45, %add3A_46 : i32
      %mul3A_48 = arith.constant 80 : i32
      %mul3A_49 = arith.muli %add3A_47, %mul3A_48 : i32
      %add3A_50 = arith.addi %mul3A_6, %mul3A_49 : i32
      "tpu.region"() ({
        %run_scoped3A = tpu.sem_alloc : memref<!tpu.dma_semaphore, #tpu.memory_space<semaphore_mem>>
        %dma_start3A_76 = tpu.memref_slice %arg3[%add3A_50] : memref<320000xi32, #tpu.memory_space<hbm>> -> memref<80xi32, #tpu.memory_space<hbm>>
        %dma_start3A_77 = tpu.memref_slice %arg3[%add3A_50] : memref<320000xi32, #tpu.memory_space<hbm>> -> memref<80xi32, #tpu.memory_space<hbm>>
        tpu.enqueue_dma source(%dma_start3A_77 : memref<80xi32, #tpu.memory_space<hbm>>) target(%arg9 : memref<80xi32, #tpu.memory_space<vmem>>) target_semaphore(%run_scoped3A : memref<!tpu.dma_semaphore, #tpu.memory_space<semaphore_mem>>)
        %dma_wait3A_78 = tpu.memref_slice %arg3[%add3A_50] : memref<320000xi32, #tpu.memory_space<hbm>> -> memref<80xi32, #tpu.memory_space<hbm>>
        %dma_wait3A_79 = tpu.memref_slice %arg3[%add3A_50] : memref<320000xi32, #tpu.memory_space<hbm>> -> memref<80xi32, #tpu.memory_space<hbm>>
        tpu.wait_dma2 semaphore(%run_scoped3A : memref<!tpu.dma_semaphore, #tpu.memory_space<semaphore_mem>>) src(%dma_wait3A_79 : memref<80xi32, #tpu.memory_space<hbm>>) dst(%arg9 : memref<80xi32, #tpu.memory_space<vmem>>)
        tpu.yield
      }) : () -> ()
      "tpu.region"() ({
        %run_scoped3A = tpu.sem_alloc : memref<!tpu.dma_semaphore, #tpu.memory_space<semaphore_mem>>
        %dma_start3A_76 = tpu.memref_slice %arg4[%add3A_50] : memref<320000xi32, #tpu.memory_space<hbm>> -> memref<80xi32, #tpu.memory_space<hbm>>
        %dma_start3A_77 = tpu.memref_slice %arg4[%add3A_50] : memref<320000xi32, #tpu.memory_space<hbm>> -> memref<80xi32, #tpu.memory_space<hbm>>
        tpu.enqueue_dma source(%dma_start3A_77 : memref<80xi32, #tpu.memory_space<hbm>>) target(%arg13 : memref<80xi32, #tpu.memory_space<vmem>>) target_semaphore(%run_scoped3A : memref<!tpu.dma_semaphore, #tpu.memory_space<semaphore_mem>>)
        %dma_wait3A_78 = tpu.memref_slice %arg4[%add3A_50] : memref<320000xi32, #tpu.memory_space<hbm>> -> memref<80xi32, #tpu.memory_space<hbm>>
        %dma_wait3A_79 = tpu.memref_slice %arg4[%add3A_50] : memref<320000xi32, #tpu.memory_space<hbm>> -> memref<80xi32, #tpu.memory_space<hbm>>
        tpu.wait_dma2 semaphore(%run_scoped3A : memref<!tpu.dma_semaphore, #tpu.memory_space<semaphore_mem>>) src(%dma_wait3A_79 : memref<80xi32, #tpu.memory_space<hbm>>) dst(%arg13 : memref<80xi32, #tpu.memory_space<vmem>>)
        tpu.yield
      }) : () -> ()
      %dma_start3A_51 = arith.constant 0 : i32
      %dma_start3A_52 = arith.constant 0 : i32
      %dma_start3A_53 = tpu.memref_slice %arg2[%dma_start3A_51, %dma_start3A_52] : memref<10000x128xf32, #tpu.memory_space<hbm>> -> memref<10000x128xf32, #tpu.memory_space<hbm>>
      tpu.enqueue_indirect_dma source(%dma_start3A_53 : memref<10000x128xf32, #tpu.memory_space<hbm>>) target(%arg17 : memref<80x128xf32, #tpu.memory_space<vmem>>) offsets(%arg9 : memref<80xi32, #tpu.memory_space<vmem>>) semaphore(%arg22 : memref<!tpu.dma_semaphore, #tpu.memory_space<semaphore_mem>>)
      %mul3A_54 = arith.constant 4 : i32
      %mul3A_55 = arith.muli %mul3A_54, %scan3A_23 : i32
      %add3A_56 = arith.constant 3 : i32
      %add3A_57 = arith.addi %mul3A_55, %add3A_56 : i32
      %mul3A_58 = arith.constant 80 : i32
      %mul3A_59 = arith.muli %add3A_57, %mul3A_58 : i32
      %add3A_60 = arith.addi %mul3A_6, %mul3A_59 : i32
      "tpu.region"() ({
        %run_scoped3A = tpu.sem_alloc : memref<!tpu.dma_semaphore, #tpu.memory_space<semaphore_mem>>
        %dma_start3A_76 = tpu.memref_slice %arg3[%add3A_60] : memref<320000xi32, #tpu.memory_space<hbm>> -> memref<80xi32, #tpu.memory_space<hbm>>
        %dma_start3A_77 = tpu.memref_slice %arg3[%add3A_60] : memref<320000xi32, #tpu.memory_space<hbm>> -> memref<80xi32, #tpu.memory_space<hbm>>
        tpu.enqueue_dma source(%dma_start3A_77 : memref<80xi32, #tpu.memory_space<hbm>>) target(%arg10 : memref<80xi32, #tpu.memory_space<vmem>>) target_semaphore(%run_scoped3A : memref<!tpu.dma_semaphore, #tpu.memory_space<semaphore_mem>>)
        %dma_wait3A_78 = tpu.memref_slice %arg3[%add3A_60] : memref<320000xi32, #tpu.memory_space<hbm>> -> memref<80xi32, #tpu.memory_space<hbm>>
        %dma_wait3A_79 = tpu.memref_slice %arg3[%add3A_60] : memref<320000xi32, #tpu.memory_space<hbm>> -> memref<80xi32, #tpu.memory_space<hbm>>
        tpu.wait_dma2 semaphore(%run_scoped3A : memref<!tpu.dma_semaphore, #tpu.memory_space<semaphore_mem>>) src(%dma_wait3A_79 : memref<80xi32, #tpu.memory_space<hbm>>) dst(%arg10 : memref<80xi32, #tpu.memory_space<vmem>>)
        tpu.yield
      }) : () -> ()
      "tpu.region"() ({
        %run_scoped3A = tpu.sem_alloc : memref<!tpu.dma_semaphore, #tpu.memory_space<semaphore_mem>>
        %dma_start3A_76 = tpu.memref_slice %arg4[%add3A_60] : memref<320000xi32, #tpu.memory_space<hbm>> -> memref<80xi32, #tpu.memory_space<hbm>>
        %dma_start3A_77 = tpu.memref_slice %arg4[%add3A_60] : memref<320000xi32, #tpu.memory_space<hbm>> -> memref<80xi32, #tpu.memory_space<hbm>>
        tpu.enqueue_dma source(%dma_start3A_77 : memref<80xi32, #tpu.memory_space<hbm>>) target(%arg14 : memref<80xi32, #tpu.memory_space<vmem>>) target_semaphore(%run_scoped3A : memref<!tpu.dma_semaphore, #tpu.memory_space<semaphore_mem>>)
        %dma_wait3A_78 = tpu.memref_slice %arg4[%add3A_60] : memref<320000xi32, #tpu.memory_space<hbm>> -> memref<80xi32, #tpu.memory_space<hbm>>
        %dma_wait3A_79 = tpu.memref_slice %arg4[%add3A_60] : memref<320000xi32, #tpu.memory_space<hbm>> -> memref<80xi32, #tpu.memory_space<hbm>>
        tpu.wait_dma2 semaphore(%run_scoped3A : memref<!tpu.dma_semaphore, #tpu.memory_space<semaphore_mem>>) src(%dma_wait3A_79 : memref<80xi32, #tpu.memory_space<hbm>>) dst(%arg14 : memref<80xi32, #tpu.memory_space<vmem>>)
        tpu.yield
      }) : () -> ()
      %dma_start3A_61 = arith.constant 0 : i32
      %dma_start3A_62 = arith.constant 0 : i32
      %dma_start3A_63 = tpu.memref_slice %arg2[%dma_start3A_61, %dma_start3A_62] : memref<10000x128xf32, #tpu.memory_space<hbm>> -> memref<10000x128xf32, #tpu.memory_space<hbm>>
      tpu.enqueue_indirect_dma source(%dma_start3A_63 : memref<10000x128xf32, #tpu.memory_space<hbm>>) target(%arg18 : memref<80x128xf32, #tpu.memory_space<vmem>>) offsets(%arg10 : memref<80xi32, #tpu.memory_space<vmem>>) semaphore(%arg23 : memref<!tpu.dma_semaphore, #tpu.memory_space<semaphore_mem>>)
      %dma_wait3A_64 = arith.constant 0 : i32
      %dma_wait3A_65 = arith.constant 0 : i32
      %dma_wait3A_66 = tpu.memref_slice %arg2[%dma_wait3A_64, %dma_wait3A_65] : memref<10000x128xf32, #tpu.memory_space<hbm>> -> memref<10000x128xf32, #tpu.memory_space<hbm>>
      tpu.wait_indirect_dma semaphore(%arg20 : memref<!tpu.dma_semaphore, #tpu.memory_space<semaphore_mem>>) src(%dma_wait3A_66 : memref<10000x128xf32, #tpu.memory_space<hbm>>) dst(%arg15 : memref<80x128xf32, #tpu.memory_space<vmem>>)
      "tpu.region"() ({
        %run_scoped3A = tpu.sem_alloc : memref<!tpu.dma_semaphore, #tpu.memory_space<semaphore_mem>>
        %dma_start3A_76 = arith.constant 0 : i32
        %dma_start3A_77 = arith.constant 0 : i32
        %dma_start3A_78 = tpu.memref_slice %arg19[%dma_start3A_76, %dma_start3A_77] : memref<10112x128xf32, #tpu.memory_space<vmem_shared>> -> memref<10112x128xf32, #tpu.memory_space<vmem_shared>>
        tpu.enqueue_indirect_dma source(%arg15 : memref<80x128xf32, #tpu.memory_space<vmem>>) target(%dma_start3A_78 : memref<10112x128xf32, #tpu.memory_space<vmem_shared>>) offsets(%arg11 : memref<80xi32, #tpu.memory_space<vmem>>) semaphore(%run_scoped3A : memref<!tpu.dma_semaphore, #tpu.memory_space<semaphore_mem>>) {add = true}
        %dma_wait3A_79 = arith.constant 0 : i32
        %dma_wait3A_80 = arith.constant 0 : i32
        %dma_wait3A_81 = tpu.memref_slice %arg19[%dma_wait3A_79, %dma_wait3A_80] : memref<10112x128xf32, #tpu.memory_space<vmem_shared>> -> memref<10112x128xf32, #tpu.memory_space<vmem_shared>>
        tpu.wait_indirect_dma semaphore(%run_scoped3A : memref<!tpu.dma_semaphore, #tpu.memory_space<semaphore_mem>>) src(%arg15 : memref<80x128xf32, #tpu.memory_space<vmem>>) dst(%dma_wait3A_81 : memref<10112x128xf32, #tpu.memory_space<vmem_shared>>)
        tpu.yield
      }) : () -> ()
      %dma_wait3A_67 = arith.constant 0 : i32
      %dma_wait3A_68 = arith.constant 0 : i32
      %dma_wait3A_69 = tpu.memref_slice %arg2[%dma_wait3A_67, %dma_wait3A_68] : memref<10000x128xf32, #tpu.memory_space<hbm>> -> memref<10000x128xf32, #tpu.memory_space<hbm>>
      tpu.wait_indirect_dma semaphore(%arg21 : memref<!tpu.dma_semaphore, #tpu.memory_space<semaphore_mem>>) src(%dma_wait3A_69 : memref<10000x128xf32, #tpu.memory_space<hbm>>) dst(%arg16 : memref<80x128xf32, #tpu.memory_space<vmem>>)
      "tpu.region"() ({
        %run_scoped3A = tpu.sem_alloc : memref<!tpu.dma_semaphore, #tpu.memory_space<semaphore_mem>>
        %dma_start3A_76 = arith.constant 0 : i32
        %dma_start3A_77 = arith.constant 0 : i32
        %dma_start3A_78 = tpu.memref_slice %arg19[%dma_start3A_76, %dma_start3A_77] : memref<10112x128xf32, #tpu.memory_space<vmem_shared>> -> memref<10112x128xf32, #tpu.memory_space<vmem_shared>>
        tpu.enqueue_indirect_dma source(%arg16 : memref<80x128xf32, #tpu.memory_space<vmem>>) target(%dma_start3A_78 : memref<10112x128xf32, #tpu.memory_space<vmem_shared>>) offsets(%arg12 : memref<80xi32, #tpu.memory_space<vmem>>) semaphore(%run_scoped3A : memref<!tpu.dma_semaphore, #tpu.memory_space<semaphore_mem>>) {add = true}
        %dma_wait3A_79 = arith.constant 0 : i32
        %dma_wait3A_80 = arith.constant 0 : i32
        %dma_wait3A_81 = tpu.memref_slice %arg19[%dma_wait3A_79, %dma_wait3A_80] : memref<10112x128xf32, #tpu.memory_space<vmem_shared>> -> memref<10112x128xf32, #tpu.memory_space<vmem_shared>>
        tpu.wait_indirect_dma semaphore(%run_scoped3A : memref<!tpu.dma_semaphore, #tpu.memory_space<semaphore_mem>>) src(%arg16 : memref<80x128xf32, #tpu.memory_space<vmem>>) dst(%dma_wait3A_81 : memref<10112x128xf32, #tpu.memory_space<vmem_shared>>)
        tpu.yield
      }) : () -> ()
      %dma_wait3A_70 = arith.constant 0 : i32
      %dma_wait3A_71 = arith.constant 0 : i32
      %dma_wait3A_72 = tpu.memref_slice %arg2[%dma_wait3A_70, %dma_wait3A_71] : memref<10000x128xf32, #tpu.memory_space<hbm>> -> memref<10000x128xf32, #tpu.memory_space<hbm>>
      tpu.wait_indirect_dma semaphore(%arg22 : memref<!tpu.dma_semaphore, #tpu.memory_space<semaphore_mem>>) src(%dma_wait3A_72 : memref<10000x128xf32, #tpu.memory_space<hbm>>) dst(%arg17 : memref<80x128xf32, #tpu.memory_space<vmem>>)
      "tpu.region"() ({
        %run_scoped3A = tpu.sem_alloc : memref<!tpu.dma_semaphore, #tpu.memory_space<semaphore_mem>>
        %dma_start3A_76 = arith.constant 0 : i32
        %dma_start3A_77 = arith.constant 0 : i32
        %dma_start3A_78 = tpu.memref_slice %arg19[%dma_start3A_76, %dma_start3A_77] : memref<10112x128xf32, #tpu.memory_space<vmem_shared>> -> memref<10112x128xf32, #tpu.memory_space<vmem_shared>>
        tpu.enqueue_indirect_dma source(%arg17 : memref<80x128xf32, #tpu.memory_space<vmem>>) target(%dma_start3A_78 : memref<10112x128xf32, #tpu.memory_space<vmem_shared>>) offsets(%arg13 : memref<80xi32, #tpu.memory_space<vmem>>) semaphore(%run_scoped3A : memref<!tpu.dma_semaphore, #tpu.memory_space<semaphore_mem>>) {add = true}
        %dma_wait3A_79 = arith.constant 0 : i32
        %dma_wait3A_80 = arith.constant 0 : i32
        %dma_wait3A_81 = tpu.memref_slice %arg19[%dma_wait3A_79, %dma_wait3A_80] : memref<10112x128xf32, #tpu.memory_space<vmem_shared>> -> memref<10112x128xf32, #tpu.memory_space<vmem_shared>>
        tpu.wait_indirect_dma semaphore(%run_scoped3A : memref<!tpu.dma_semaphore, #tpu.memory_space<semaphore_mem>>) src(%arg17 : memref<80x128xf32, #tpu.memory_space<vmem>>) dst(%dma_wait3A_81 : memref<10112x128xf32, #tpu.memory_space<vmem_shared>>)
        tpu.yield
      }) : () -> ()
      %dma_wait3A_73 = arith.constant 0 : i32
      %dma_wait3A_74 = arith.constant 0 : i32
      %dma_wait3A_75 = tpu.memref_slice %arg2[%dma_wait3A_73, %dma_wait3A_74] : memref<10000x128xf32, #tpu.memory_space<hbm>> -> memref<10000x128xf32, #tpu.memory_space<hbm>>
      tpu.wait_indirect_dma semaphore(%arg23 : memref<!tpu.dma_semaphore, #tpu.memory_space<semaphore_mem>>) src(%dma_wait3A_75 : memref<10000x128xf32, #tpu.memory_space<hbm>>) dst(%arg18 : memref<80x128xf32, #tpu.memory_space<vmem>>)
      "tpu.region"() ({
        %run_scoped3A = tpu.sem_alloc : memref<!tpu.dma_semaphore, #tpu.memory_space<semaphore_mem>>
        %dma_start3A_76 = arith.constant 0 : i32
        %dma_start3A_77 = arith.constant 0 : i32
        %dma_start3A_78 = tpu.memref_slice %arg19[%dma_start3A_76, %dma_start3A_77] : memref<10112x128xf32, #tpu.memory_space<vmem_shared>> -> memref<10112x128xf32, #tpu.memory_space<vmem_shared>>
        tpu.enqueue_indirect_dma source(%arg18 : memref<80x128xf32, #tpu.memory_space<vmem>>) target(%dma_start3A_78 : memref<10112x128xf32, #tpu.memory_space<vmem_shared>>) offsets(%arg14 : memref<80xi32, #tpu.memory_space<vmem>>) semaphore(%run_scoped3A : memref<!tpu.dma_semaphore, #tpu.memory_space<semaphore_mem>>) {add = true}
        %dma_wait3A_79 = arith.constant 0 : i32
        %dma_wait3A_80 = arith.constant 0 : i32
        %dma_wait3A_81 = tpu.memref_slice %arg19[%dma_wait3A_79, %dma_wait3A_80] : memref<10112x128xf32, #tpu.memory_space<vmem_shared>> -> memref<10112x128xf32, #tpu.memory_space<vmem_shared>>
        tpu.wait_indirect_dma semaphore(%run_scoped3A : memref<!tpu.dma_semaphore, #tpu.memory_space<semaphore_mem>>) src(%arg18 : memref<80x128xf32, #tpu.memory_space<vmem>>) dst(%dma_wait3A_81 : memref<10112x128xf32, #tpu.memory_space<vmem_shared>>)
        tpu.yield
      }) : () -> ()
    }
    %scan3A_11 = arith.constant 31 : i32
    %add3A_12 = arith.constant 9920 : i32
    %add3A_13 = arith.addi %mul3A_6, %add3A_12 : i32
    "tpu.region"() ({
      %run_scoped3A = tpu.sem_alloc : memref<!tpu.dma_semaphore, #tpu.memory_space<semaphore_mem>>
      %dma_start3A_23 = tpu.memref_slice %arg3[%add3A_13] : memref<320000xi32, #tpu.memory_space<hbm>> -> memref<80xi32, #tpu.memory_space<hbm>>
      %dma_start3A_24 = tpu.memref_slice %arg3[%add3A_13] : memref<320000xi32, #tpu.memory_space<hbm>> -> memref<80xi32, #tpu.memory_space<hbm>>
      tpu.enqueue_dma source(%dma_start3A_24 : memref<80xi32, #tpu.memory_space<hbm>>) target(%arg7 : memref<80xi32, #tpu.memory_space<vmem>>) target_semaphore(%run_scoped3A : memref<!tpu.dma_semaphore, #tpu.memory_space<semaphore_mem>>)
      %dma_wait3A_25 = tpu.memref_slice %arg3[%add3A_13] : memref<320000xi32, #tpu.memory_space<hbm>> -> memref<80xi32, #tpu.memory_space<hbm>>
      %dma_wait3A_26 = tpu.memref_slice %arg3[%add3A_13] : memref<320000xi32, #tpu.memory_space<hbm>> -> memref<80xi32, #tpu.memory_space<hbm>>
      tpu.wait_dma2 semaphore(%run_scoped3A : memref<!tpu.dma_semaphore, #tpu.memory_space<semaphore_mem>>) src(%dma_wait3A_26 : memref<80xi32, #tpu.memory_space<hbm>>) dst(%arg7 : memref<80xi32, #tpu.memory_space<vmem>>)
      tpu.yield
    }) : () -> ()
    "tpu.region"() ({
      %run_scoped3A = tpu.sem_alloc : memref<!tpu.dma_semaphore, #tpu.memory_space<semaphore_mem>>
      %dma_start3A_23 = tpu.memref_slice %arg4[%add3A_13] : memref<320000xi32, #tpu.memory_space<hbm>> -> memref<80xi32, #tpu.memory_space<hbm>>
      %dma_start3A_24 = tpu.memref_slice %arg4[%add3A_13] : memref<320000xi32, #tpu.memory_space<hbm>> -> memref<80xi32, #tpu.memory_space<hbm>>
      tpu.enqueue_dma source(%dma_start3A_24 : memref<80xi32, #tpu.memory_space<hbm>>) target(%arg11 : memref<80xi32, #tpu.memory_space<vmem>>) target_semaphore(%run_scoped3A : memref<!tpu.dma_semaphore, #tpu.memory_space<semaphore_mem>>)
      %dma_wait3A_25 = tpu.memref_slice %arg4[%add3A_13] : memref<320000xi32, #tpu.memory_space<hbm>> -> memref<80xi32, #tpu.memory_space<hbm>>
      %dma_wait3A_26 = tpu.memref_slice %arg4[%add3A_13] : memref<320000xi32, #tpu.memory_space<hbm>> -> memref<80xi32, #tpu.memory_space<hbm>>
      tpu.wait_dma2 semaphore(%run_scoped3A : memref<!tpu.dma_semaphore, #tpu.memory_space<semaphore_mem>>) src(%dma_wait3A_26 : memref<80xi32, #tpu.memory_space<hbm>>) dst(%arg11 : memref<80xi32, #tpu.memory_space<vmem>>)
      tpu.yield
    }) : () -> ()
    %dma_start3A = arith.constant 0 : i32
    %dma_start3A_14 = arith.constant 0 : i32
    %dma_start3A_15 = tpu.memref_slice %arg2[%dma_start3A, %dma_start3A_14] : memref<10000x128xf32, #tpu.memory_space<hbm>> -> memref<10000x128xf32, #tpu.memory_space<hbm>>
    tpu.enqueue_indirect_dma source(%dma_start3A_15 : memref<10000x128xf32, #tpu.memory_space<hbm>>) target(%arg15 : memref<80x128xf32, #tpu.memory_space<vmem>>) offsets(%arg7 : memref<80xi32, #tpu.memory_space<vmem>>) semaphore(%arg20 : memref<!tpu.dma_semaphore, #tpu.memory_space<semaphore_mem>>)
    %dma_wait3A = arith.constant 0 : i32
    %dma_wait3A_16 = arith.constant 0 : i32
    %dma_wait3A_17 = tpu.memref_slice %arg2[%dma_wait3A, %dma_wait3A_16] : memref<10000x128xf32, #tpu.memory_space<hbm>> -> memref<10000x128xf32, #tpu.memory_space<hbm>>
    tpu.wait_indirect_dma semaphore(%arg20 : memref<!tpu.dma_semaphore, #tpu.memory_space<semaphore_mem>>) src(%dma_wait3A_17 : memref<10000x128xf32, #tpu.memory_space<hbm>>) dst(%arg15 : memref<80x128xf32, #tpu.memory_space<vmem>>)
    "tpu.region"() ({
      %run_scoped3A = tpu.sem_alloc : memref<!tpu.dma_semaphore, #tpu.memory_space<semaphore_mem>>
      %dma_start3A_23 = arith.constant 0 : i32
      %dma_start3A_24 = arith.constant 0 : i32
      %dma_start3A_25 = tpu.memref_slice %arg19[%dma_start3A_23, %dma_start3A_24] : memref<10112x128xf32, #tpu.memory_space<vmem_shared>> -> memref<10112x128xf32, #tpu.memory_space<vmem_shared>>
      tpu.enqueue_indirect_dma source(%arg15 : memref<80x128xf32, #tpu.memory_space<vmem>>) target(%dma_start3A_25 : memref<10112x128xf32, #tpu.memory_space<vmem_shared>>) offsets(%arg11 : memref<80xi32, #tpu.memory_space<vmem>>) semaphore(%run_scoped3A : memref<!tpu.dma_semaphore, #tpu.memory_space<semaphore_mem>>) {add = true}
      %dma_wait3A_26 = arith.constant 0 : i32
      %dma_wait3A_27 = arith.constant 0 : i32
      %dma_wait3A_28 = tpu.memref_slice %arg19[%dma_wait3A_26, %dma_wait3A_27] : memref<10112x128xf32, #tpu.memory_space<vmem_shared>> -> memref<10112x128xf32, #tpu.memory_space<vmem_shared>>
      tpu.wait_indirect_dma semaphore(%run_scoped3A : memref<!tpu.dma_semaphore, #tpu.memory_space<semaphore_mem>>) src(%arg15 : memref<80x128xf32, #tpu.memory_space<vmem>>) dst(%dma_wait3A_28 : memref<10112x128xf32, #tpu.memory_space<vmem_shared>>)
      tpu.yield
    }) : () -> ()
    %barrier3A_18 = arith.constant 0 : index
    tpu.barrier barrier_id(%barrier3A_18)
    %mul3A_19 = arith.constant 632 : i32
    %mul3A_20 = arith.muli %arg1, %mul3A_19 : i32
    %mul3A_21 = arith.constant 632 : i32
    %mul3A_22 = arith.muli %arg1, %mul3A_21 : i32
    "tpu.region"() ({
      %run_scoped3A = tpu.sem_alloc : memref<!tpu.dma_semaphore, #tpu.memory_space<semaphore_mem>>
      %dma_start3A_23 = arith.constant 0 : i32
      %dma_start3A_24 = tpu.memref_slice %arg6[%arg0, %mul3A_22, %dma_start3A_23] : memref<2x10112x128xf32, #tpu.memory_space<hbm>> -> memref<1x632x128xf32, #tpu.memory_space<hbm>>
      %dma_start3A_25 = tpu.memref_squeeze %dma_start3A_24 : memref<1x632x128xf32, #tpu.memory_space<hbm>> -> memref<632x128xf32, #tpu.memory_space<hbm>>
      %dma_start3A_26 = arith.constant 0 : i32
      %dma_start3A_27 = tpu.memref_slice %arg19[%mul3A_20, %dma_start3A_26] : memref<10112x128xf32, #tpu.memory_space<vmem_shared>> -> memref<632x128xf32, #tpu.memory_space<vmem_shared>>
      tpu.enqueue_dma source(%dma_start3A_27 : memref<632x128xf32, #tpu.memory_space<vmem_shared>>) target(%dma_start3A_25 : memref<632x128xf32, #tpu.memory_space<hbm>>) target_semaphore(%run_scoped3A : memref<!tpu.dma_semaphore, #tpu.memory_space<semaphore_mem>>)
      %dma_wait3A_28 = arith.constant 0 : i32
      %dma_wait3A_29 = tpu.memref_slice %arg6[%arg0, %mul3A_22, %dma_wait3A_28] : memref<2x10112x128xf32, #tpu.memory_space<hbm>> -> memref<1x632x128xf32, #tpu.memory_space<hbm>>
      %dma_wait3A_30 = tpu.memref_squeeze %dma_wait3A_29 : memref<1x632x128xf32, #tpu.memory_space<hbm>> -> memref<632x128xf32, #tpu.memory_space<hbm>>
      %dma_wait3A_31 = arith.constant 0 : i32
      %dma_wait3A_32 = tpu.memref_slice %arg19[%mul3A_20, %dma_wait3A_31] : memref<10112x128xf32, #tpu.memory_space<vmem_shared>> -> memref<632x128xf32, #tpu.memory_space<vmem_shared>>
      tpu.wait_dma2 semaphore(%run_scoped3A : memref<!tpu.dma_semaphore, #tpu.memory_space<semaphore_mem>>) src(%dma_wait3A_32 : memref<632x128xf32, #tpu.memory_space<vmem_shared>>) dst(%dma_wait3A_30 : memref<632x128xf32, #tpu.memory_space<hbm>>)
      tpu.yield
    }) : () -> ()
    return
  }
}

#map = affine_map<(d0, d1) -> (0, 0)>
#map1 = affine_map<(d0, d1) -> (0)>
#map2 = affine_map<(d0, d1) -> (0, 0, 0)>
module attributes {stable_mosaic.version = 14 : i64} {
  func.func @prop_kernel(%arg0: i32, %arg1: i32, %arg2: memref<10000x128xf32, #tpu.memory_space<hbm>>, %arg3: memref<320000xi32, #tpu.memory_space<hbm>>, %arg4: memref<320000xi32, #tpu.memory_space<hbm>>, %arg5: memref<10112x128xf32, #tpu.memory_space<hbm>>, %arg6: memref<2x10112x128xf32, #tpu.memory_space<hbm>>, %arg7: memref<80xi32, #tpu.memory_space<vmem>>, %arg8: memref<80xi32, #tpu.memory_space<vmem>>, %arg9: memref<80xi32, #tpu.memory_space<vmem>>, %arg10: memref<80xi32, #tpu.memory_space<vmem>>, %arg11: memref<80xi32, #tpu.memory_space<vmem>>, %arg12: memref<80xi32, #tpu.memory_space<vmem>>, %arg13: memref<80xi32, #tpu.memory_space<vmem>>, %arg14: memref<80xi32, #tpu.memory_space<vmem>>, %arg15: memref<80x128xf32, #tpu.memory_space<vmem>>, %arg16: memref<80x128xf32, #tpu.memory_space<vmem>>, %arg17: memref<80x128xf32, #tpu.memory_space<vmem>>, %arg18: memref<80x128xf32, #tpu.memory_space<vmem>>, %arg19: memref<10112x128xf32, #tpu.memory_space<vmem_shared>>, %arg20: memref<!tpu.dma_semaphore, #tpu.memory_space<semaphore_mem>>, %arg21: memref<!tpu.dma_semaphore, #tpu.memory_space<semaphore_mem>>, %arg22: memref<!tpu.dma_semaphore, #tpu.memory_space<semaphore_mem>>, %arg23: memref<!tpu.dma_semaphore, #tpu.memory_space<semaphore_mem>>) attributes {dimension_semantics = [#tpu.dimension_semantics<core_parallel>, #tpu.dimension_semantics<subcore_parallel>], iteration_bounds = array<i64: 2, 16>, scalar_prefetch = 0 : i64, scratch_operands = 17 : i64, tpu.core_type = #tpu.core_type<sc_vector_subcore>, window_params = [{transform_indices = #map}, {transform_indices = #map1}, {transform_indices = #map1}, {transform_indices = #map}, {transform_indices = #map2}]} {
    %mul3A = arith.constant 16 : i32
    %mul3A_0 = arith.muli %arg0, %mul3A : i32
    %add3A = arith.addi %mul3A_0, %arg1 : i32
    %mul3A_1 = arith.constant 632 : i32
    %mul3A_2 = arith.muli %arg1, %mul3A_1 : i32
    %mul3A_3 = arith.constant 632 : i32
    %mul3A_4 = arith.muli %arg1, %mul3A_3 : i32
    "tpu.region"() ({
      %run_scoped3A = tpu.sem_alloc : memref<!tpu.dma_semaphore, #tpu.memory_space<semaphore_mem>>
      %dma_start3A_23 = arith.constant 0 : i32
      %dma_start3A_24 = tpu.memref_slice %arg19[%mul3A_4, %dma_start3A_23] : memref<10112x128xf32, #tpu.memory_space<vmem_shared>> -> memref<632x128xf32, #tpu.memory_space<vmem_shared>>
      %dma_start3A_25 = arith.constant 0 : i32
      %dma_start3A_26 = tpu.memref_slice %arg5[%mul3A_2, %dma_start3A_25] : memref<10112x128xf32, #tpu.memory_space<hbm>> -> memref<632x128xf32, #tpu.memory_space<hbm>>
      tpu.enqueue_dma source(%dma_start3A_26 : memref<632x128xf32, #tpu.memory_space<hbm>>) target(%dma_start3A_24 : memref<632x128xf32, #tpu.memory_space<vmem_shared>>) target_semaphore(%run_scoped3A : memref<!tpu.dma_semaphore, #tpu.memory_space<semaphore_mem>>)
      %dma_wait3A_27 = arith.constant 0 : i32
      %dma_wait3A_28 = tpu.memref_slice %arg19[%mul3A_4, %dma_wait3A_27] : memref<10112x128xf32, #tpu.memory_space<vmem_shared>> -> memref<632x128xf32, #tpu.memory_space<vmem_shared>>
      %dma_wait3A_29 = arith.constant 0 : i32
      %dma_wait3A_30 = tpu.memref_slice %arg5[%mul3A_2, %dma_wait3A_29] : memref<10112x128xf32, #tpu.memory_space<hbm>> -> memref<632x128xf32, #tpu.memory_space<hbm>>
      tpu.wait_dma2 semaphore(%run_scoped3A : memref<!tpu.dma_semaphore, #tpu.memory_space<semaphore_mem>>) src(%dma_wait3A_30 : memref<632x128xf32, #tpu.memory_space<hbm>>) dst(%dma_wait3A_28 : memref<632x128xf32, #tpu.memory_space<vmem_shared>>)
      tpu.yield
    }) : () -> ()
    %barrier3A = arith.constant 0 : index
    tpu.barrier barrier_id(%barrier3A)
    %mul3A_5 = arith.constant 10000 : i32
    %mul3A_6 = arith.muli %add3A, %mul3A_5 : i32
    %scan3A = arith.constant 0 : i32
    %scan3A_7 = arith.constant 0 : i32
    %scan3A_8 = arith.constant 31 : i32
    %scan3A_9 = arith.addi %scan3A_7, %scan3A_8 : i32
    %scan3A_10 = arith.constant 1 : i32
    scf.for %scan3A_23 = %scan3A_7 to %scan3A_9 step %scan3A_10  : i32 {
      %mul3A_24 = arith.constant 4 : i32
      %mul3A_25 = arith.muli %mul3A_24, %scan3A_23 : i32
      %add3A_26 = arith.constant 0 : i32
      %add3A_27 = arith.addi %mul3A_25, %add3A_26 : i32
      %mul3A_28 = arith.constant 80 : i32
      %mul3A_29 = arith.muli %add3A_27, %mul3A_28 : i32
      %add3A_30 = arith.addi %mul3A_6, %mul3A_29 : i32
      "tpu.region"() ({
        %run_scoped3A = tpu.sem_alloc : memref<!tpu.dma_semaphore, #tpu.memory_space<semaphore_mem>>
        %dma_start3A_76 = tpu.memref_slice %arg3[%add3A_30] : memref<320000xi32, #tpu.memory_space<hbm>> -> memref<80xi32, #tpu.memory_space<hbm>>
        %dma_start3A_77 = tpu.memref_slice %arg3[%add3A_30] : memref<320000xi32, #tpu.memory_space<hbm>> -> memref<80xi32, #tpu.memory_space<hbm>>
        tpu.enqueue_dma source(%dma_start3A_77 : memref<80xi32, #tpu.memory_space<hbm>>) target(%arg7 : memref<80xi32, #tpu.memory_space<vmem>>) target_semaphore(%run_scoped3A : memref<!tpu.dma_semaphore, #tpu.memory_space<semaphore_mem>>)
        %dma_wait3A_78 = tpu.memref_slice %arg3[%add3A_30] : memref<320000xi32, #tpu.memory_space<hbm>> -> memref<80xi32, #tpu.memory_space<hbm>>
        %dma_wait3A_79 = tpu.memref_slice %arg3[%add3A_30] : memref<320000xi32, #tpu.memory_space<hbm>> -> memref<80xi32, #tpu.memory_space<hbm>>
        tpu.wait_dma2 semaphore(%run_scoped3A : memref<!tpu.dma_semaphore, #tpu.memory_space<semaphore_mem>>) src(%dma_wait3A_79 : memref<80xi32, #tpu.memory_space<hbm>>) dst(%arg7 : memref<80xi32, #tpu.memory_space<vmem>>)
        tpu.yield
      }) : () -> ()
      "tpu.region"() ({
        %run_scoped3A = tpu.sem_alloc : memref<!tpu.dma_semaphore, #tpu.memory_space<semaphore_mem>>
        %dma_start3A_76 = tpu.memref_slice %arg4[%add3A_30] : memref<320000xi32, #tpu.memory_space<hbm>> -> memref<80xi32, #tpu.memory_space<hbm>>
        %dma_start3A_77 = tpu.memref_slice %arg4[%add3A_30] : memref<320000xi32, #tpu.memory_space<hbm>> -> memref<80xi32, #tpu.memory_space<hbm>>
        tpu.enqueue_dma source(%dma_start3A_77 : memref<80xi32, #tpu.memory_space<hbm>>) target(%arg11 : memref<80xi32, #tpu.memory_space<vmem>>) target_semaphore(%run_scoped3A : memref<!tpu.dma_semaphore, #tpu.memory_space<semaphore_mem>>)
        %dma_wait3A_78 = tpu.memref_slice %arg4[%add3A_30] : memref<320000xi32, #tpu.memory_space<hbm>> -> memref<80xi32, #tpu.memory_space<hbm>>
        %dma_wait3A_79 = tpu.memref_slice %arg4[%add3A_30] : memref<320000xi32, #tpu.memory_space<hbm>> -> memref<80xi32, #tpu.memory_space<hbm>>
        tpu.wait_dma2 semaphore(%run_scoped3A : memref<!tpu.dma_semaphore, #tpu.memory_space<semaphore_mem>>) src(%dma_wait3A_79 : memref<80xi32, #tpu.memory_space<hbm>>) dst(%arg11 : memref<80xi32, #tpu.memory_space<vmem>>)
        tpu.yield
      }) : () -> ()
      %dma_start3A_31 = arith.constant 0 : i32
      %dma_start3A_32 = arith.constant 0 : i32
      %dma_start3A_33 = tpu.memref_slice %arg2[%dma_start3A_31, %dma_start3A_32] : memref<10000x128xf32, #tpu.memory_space<hbm>> -> memref<10000x128xf32, #tpu.memory_space<hbm>>
      tpu.enqueue_indirect_dma source(%dma_start3A_33 : memref<10000x128xf32, #tpu.memory_space<hbm>>) target(%arg15 : memref<80x128xf32, #tpu.memory_space<vmem>>) offsets(%arg7 : memref<80xi32, #tpu.memory_space<vmem>>) semaphore(%arg20 : memref<!tpu.dma_semaphore, #tpu.memory_space<semaphore_mem>>)
      %mul3A_34 = arith.constant 4 : i32
      %mul3A_35 = arith.muli %mul3A_34, %scan3A_23 : i32
      %add3A_36 = arith.constant 1 : i32
      %add3A_37 = arith.addi %mul3A_35, %add3A_36 : i32
      %mul3A_38 = arith.constant 80 : i32
      %mul3A_39 = arith.muli %add3A_37, %mul3A_38 : i32
      %add3A_40 = arith.addi %mul3A_6, %mul3A_39 : i32
      "tpu.region"() ({
        %run_scoped3A = tpu.sem_alloc : memref<!tpu.dma_semaphore, #tpu.memory_space<semaphore_mem>>
        %dma_start3A_76 = tpu.memref_slice %arg3[%add3A_40] : memref<320000xi32, #tpu.memory_space<hbm>> -> memref<80xi32, #tpu.memory_space<hbm>>
        %dma_start3A_77 = tpu.memref_slice %arg3[%add3A_40] : memref<320000xi32, #tpu.memory_space<hbm>> -> memref<80xi32, #tpu.memory_space<hbm>>
        tpu.enqueue_dma source(%dma_start3A_77 : memref<80xi32, #tpu.memory_space<hbm>>) target(%arg8 : memref<80xi32, #tpu.memory_space<vmem>>) target_semaphore(%run_scoped3A : memref<!tpu.dma_semaphore, #tpu.memory_space<semaphore_mem>>)
        %dma_wait3A_78 = tpu.memref_slice %arg3[%add3A_40] : memref<320000xi32, #tpu.memory_space<hbm>> -> memref<80xi32, #tpu.memory_space<hbm>>
        %dma_wait3A_79 = tpu.memref_slice %arg3[%add3A_40] : memref<320000xi32, #tpu.memory_space<hbm>> -> memref<80xi32, #tpu.memory_space<hbm>>
        tpu.wait_dma2 semaphore(%run_scoped3A : memref<!tpu.dma_semaphore, #tpu.memory_space<semaphore_mem>>) src(%dma_wait3A_79 : memref<80xi32, #tpu.memory_space<hbm>>) dst(%arg8 : memref<80xi32, #tpu.memory_space<vmem>>)
        tpu.yield
      }) : () -> ()
      "tpu.region"() ({
        %run_scoped3A = tpu.sem_alloc : memref<!tpu.dma_semaphore, #tpu.memory_space<semaphore_mem>>
        %dma_start3A_76 = tpu.memref_slice %arg4[%add3A_40] : memref<320000xi32, #tpu.memory_space<hbm>> -> memref<80xi32, #tpu.memory_space<hbm>>
        %dma_start3A_77 = tpu.memref_slice %arg4[%add3A_40] : memref<320000xi32, #tpu.memory_space<hbm>> -> memref<80xi32, #tpu.memory_space<hbm>>
        tpu.enqueue_dma source(%dma_start3A_77 : memref<80xi32, #tpu.memory_space<hbm>>) target(%arg12 : memref<80xi32, #tpu.memory_space<vmem>>) target_semaphore(%run_scoped3A : memref<!tpu.dma_semaphore, #tpu.memory_space<semaphore_mem>>)
        %dma_wait3A_78 = tpu.memref_slice %arg4[%add3A_40] : memref<320000xi32, #tpu.memory_space<hbm>> -> memref<80xi32, #tpu.memory_space<hbm>>
        %dma_wait3A_79 = tpu.memref_slice %arg4[%add3A_40] : memref<320000xi32, #tpu.memory_space<hbm>> -> memref<80xi32, #tpu.memory_space<hbm>>
        tpu.wait_dma2 semaphore(%run_scoped3A : memref<!tpu.dma_semaphore, #tpu.memory_space<semaphore_mem>>) src(%dma_wait3A_79 : memref<80xi32, #tpu.memory_space<hbm>>) dst(%arg12 : memref<80xi32, #tpu.memory_space<vmem>>)
        tpu.yield
      }) : () -> ()
      %dma_start3A_41 = arith.constant 0 : i32
      %dma_start3A_42 = arith.constant 0 : i32
      %dma_start3A_43 = tpu.memref_slice %arg2[%dma_start3A_41, %dma_start3A_42] : memref<10000x128xf32, #tpu.memory_space<hbm>> -> memref<10000x128xf32, #tpu.memory_space<hbm>>
      tpu.enqueue_indirect_dma source(%dma_start3A_43 : memref<10000x128xf32, #tpu.memory_space<hbm>>) target(%arg16 : memref<80x128xf32, #tpu.memory_space<vmem>>) offsets(%arg8 : memref<80xi32, #tpu.memory_space<vmem>>) semaphore(%arg21 : memref<!tpu.dma_semaphore, #tpu.memory_space<semaphore_mem>>)
      %mul3A_44 = arith.constant 4 : i32
      %mul3A_45 = arith.muli %mul3A_44, %scan3A_23 : i32
      %add3A_46 = arith.constant 2 : i32
      %add3A_47 = arith.addi %mul3A_45, %add3A_46 : i32
      %mul3A_48 = arith.constant 80 : i32
      %mul3A_49 = arith.muli %add3A_47, %mul3A_48 : i32
      %add3A_50 = arith.addi %mul3A_6, %mul3A_49 : i32
      "tpu.region"() ({
        %run_scoped3A = tpu.sem_alloc : memref<!tpu.dma_semaphore, #tpu.memory_space<semaphore_mem>>
        %dma_start3A_76 = tpu.memref_slice %arg3[%add3A_50] : memref<320000xi32, #tpu.memory_space<hbm>> -> memref<80xi32, #tpu.memory_space<hbm>>
        %dma_start3A_77 = tpu.memref_slice %arg3[%add3A_50] : memref<320000xi32, #tpu.memory_space<hbm>> -> memref<80xi32, #tpu.memory_space<hbm>>
        tpu.enqueue_dma source(%dma_start3A_77 : memref<80xi32, #tpu.memory_space<hbm>>) target(%arg9 : memref<80xi32, #tpu.memory_space<vmem>>) target_semaphore(%run_scoped3A : memref<!tpu.dma_semaphore, #tpu.memory_space<semaphore_mem>>)
        %dma_wait3A_78 = tpu.memref_slice %arg3[%add3A_50] : memref<320000xi32, #tpu.memory_space<hbm>> -> memref<80xi32, #tpu.memory_space<hbm>>
        %dma_wait3A_79 = tpu.memref_slice %arg3[%add3A_50] : memref<320000xi32, #tpu.memory_space<hbm>> -> memref<80xi32, #tpu.memory_space<hbm>>
        tpu.wait_dma2 semaphore(%run_scoped3A : memref<!tpu.dma_semaphore, #tpu.memory_space<semaphore_mem>>) src(%dma_wait3A_79 : memref<80xi32, #tpu.memory_space<hbm>>) dst(%arg9 : memref<80xi32, #tpu.memory_space<vmem>>)
        tpu.yield
      }) : () -> ()
      "tpu.region"() ({
        %run_scoped3A = tpu.sem_alloc : memref<!tpu.dma_semaphore, #tpu.memory_space<semaphore_mem>>
        %dma_start3A_76 = tpu.memref_slice %arg4[%add3A_50] : memref<320000xi32, #tpu.memory_space<hbm>> -> memref<80xi32, #tpu.memory_space<hbm>>
        %dma_start3A_77 = tpu.memref_slice %arg4[%add3A_50] : memref<320000xi32, #tpu.memory_space<hbm>> -> memref<80xi32, #tpu.memory_space<hbm>>
        tpu.enqueue_dma source(%dma_start3A_77 : memref<80xi32, #tpu.memory_space<hbm>>) target(%arg13 : memref<80xi32, #tpu.memory_space<vmem>>) target_semaphore(%run_scoped3A : memref<!tpu.dma_semaphore, #tpu.memory_space<semaphore_mem>>)
        %dma_wait3A_78 = tpu.memref_slice %arg4[%add3A_50] : memref<320000xi32, #tpu.memory_space<hbm>> -> memref<80xi32, #tpu.memory_space<hbm>>
        %dma_wait3A_79 = tpu.memref_slice %arg4[%add3A_50] : memref<320000xi32, #tpu.memory_space<hbm>> -> memref<80xi32, #tpu.memory_space<hbm>>
        tpu.wait_dma2 semaphore(%run_scoped3A : memref<!tpu.dma_semaphore, #tpu.memory_space<semaphore_mem>>) src(%dma_wait3A_79 : memref<80xi32, #tpu.memory_space<hbm>>) dst(%arg13 : memref<80xi32, #tpu.memory_space<vmem>>)
        tpu.yield
      }) : () -> ()
      %dma_start3A_51 = arith.constant 0 : i32
      %dma_start3A_52 = arith.constant 0 : i32
      %dma_start3A_53 = tpu.memref_slice %arg2[%dma_start3A_51, %dma_start3A_52] : memref<10000x128xf32, #tpu.memory_space<hbm>> -> memref<10000x128xf32, #tpu.memory_space<hbm>>
      tpu.enqueue_indirect_dma source(%dma_start3A_53 : memref<10000x128xf32, #tpu.memory_space<hbm>>) target(%arg17 : memref<80x128xf32, #tpu.memory_space<vmem>>) offsets(%arg9 : memref<80xi32, #tpu.memory_space<vmem>>) semaphore(%arg22 : memref<!tpu.dma_semaphore, #tpu.memory_space<semaphore_mem>>)
      %mul3A_54 = arith.constant 4 : i32
      %mul3A_55 = arith.muli %mul3A_54, %scan3A_23 : i32
      %add3A_56 = arith.constant 3 : i32
      %add3A_57 = arith.addi %mul3A_55, %add3A_56 : i32
      %mul3A_58 = arith.constant 80 : i32
      %mul3A_59 = arith.muli %add3A_57, %mul3A_58 : i32
      %add3A_60 = arith.addi %mul3A_6, %mul3A_59 : i32
      "tpu.region"() ({
        %run_scoped3A = tpu.sem_alloc : memref<!tpu.dma_semaphore, #tpu.memory_space<semaphore_mem>>
        %dma_start3A_76 = tpu.memref_slice %arg3[%add3A_60] : memref<320000xi32, #tpu.memory_space<hbm>> -> memref<80xi32, #tpu.memory_space<hbm>>
        %dma_start3A_77 = tpu.memref_slice %arg3[%add3A_60] : memref<320000xi32, #tpu.memory_space<hbm>> -> memref<80xi32, #tpu.memory_space<hbm>>
        tpu.enqueue_dma source(%dma_start3A_77 : memref<80xi32, #tpu.memory_space<hbm>>) target(%arg10 : memref<80xi32, #tpu.memory_space<vmem>>) target_semaphore(%run_scoped3A : memref<!tpu.dma_semaphore, #tpu.memory_space<semaphore_mem>>)
        %dma_wait3A_78 = tpu.memref_slice %arg3[%add3A_60] : memref<320000xi32, #tpu.memory_space<hbm>> -> memref<80xi32, #tpu.memory_space<hbm>>
        %dma_wait3A_79 = tpu.memref_slice %arg3[%add3A_60] : memref<320000xi32, #tpu.memory_space<hbm>> -> memref<80xi32, #tpu.memory_space<hbm>>
        tpu.wait_dma2 semaphore(%run_scoped3A : memref<!tpu.dma_semaphore, #tpu.memory_space<semaphore_mem>>) src(%dma_wait3A_79 : memref<80xi32, #tpu.memory_space<hbm>>) dst(%arg10 : memref<80xi32, #tpu.memory_space<vmem>>)
        tpu.yield
      }) : () -> ()
      "tpu.region"() ({
        %run_scoped3A = tpu.sem_alloc : memref<!tpu.dma_semaphore, #tpu.memory_space<semaphore_mem>>
        %dma_start3A_76 = tpu.memref_slice %arg4[%add3A_60] : memref<320000xi32, #tpu.memory_space<hbm>> -> memref<80xi32, #tpu.memory_space<hbm>>
        %dma_start3A_77 = tpu.memref_slice %arg4[%add3A_60] : memref<320000xi32, #tpu.memory_space<hbm>> -> memref<80xi32, #tpu.memory_space<hbm>>
        tpu.enqueue_dma source(%dma_start3A_77 : memref<80xi32, #tpu.memory_space<hbm>>) target(%arg14 : memref<80xi32, #tpu.memory_space<vmem>>) target_semaphore(%run_scoped3A : memref<!tpu.dma_semaphore, #tpu.memory_space<semaphore_mem>>)
        %dma_wait3A_78 = tpu.memref_slice %arg4[%add3A_60] : memref<320000xi32, #tpu.memory_space<hbm>> -> memref<80xi32, #tpu.memory_space<hbm>>
        %dma_wait3A_79 = tpu.memref_slice %arg4[%add3A_60] : memref<320000xi32, #tpu.memory_space<hbm>> -> memref<80xi32, #tpu.memory_space<hbm>>
        tpu.wait_dma2 semaphore(%run_scoped3A : memref<!tpu.dma_semaphore, #tpu.memory_space<semaphore_mem>>) src(%dma_wait3A_79 : memref<80xi32, #tpu.memory_space<hbm>>) dst(%arg14 : memref<80xi32, #tpu.memory_space<vmem>>)
        tpu.yield
      }) : () -> ()
      %dma_start3A_61 = arith.constant 0 : i32
      %dma_start3A_62 = arith.constant 0 : i32
      %dma_start3A_63 = tpu.memref_slice %arg2[%dma_start3A_61, %dma_start3A_62] : memref<10000x128xf32, #tpu.memory_space<hbm>> -> memref<10000x128xf32, #tpu.memory_space<hbm>>
      tpu.enqueue_indirect_dma source(%dma_start3A_63 : memref<10000x128xf32, #tpu.memory_space<hbm>>) target(%arg18 : memref<80x128xf32, #tpu.memory_space<vmem>>) offsets(%arg10 : memref<80xi32, #tpu.memory_space<vmem>>) semaphore(%arg23 : memref<!tpu.dma_semaphore, #tpu.memory_space<semaphore_mem>>)
      %dma_wait3A_64 = arith.constant 0 : i32
      %dma_wait3A_65 = arith.constant 0 : i32
      %dma_wait3A_66 = tpu.memref_slice %arg2[%dma_wait3A_64, %dma_wait3A_65] : memref<10000x128xf32, #tpu.memory_space<hbm>> -> memref<10000x128xf32, #tpu.memory_space<hbm>>
      tpu.wait_indirect_dma semaphore(%arg20 : memref<!tpu.dma_semaphore, #tpu.memory_space<semaphore_mem>>) src(%dma_wait3A_66 : memref<10000x128xf32, #tpu.memory_space<hbm>>) dst(%arg15 : memref<80x128xf32, #tpu.memory_space<vmem>>)
      "tpu.region"() ({
        %run_scoped3A = tpu.sem_alloc : memref<!tpu.dma_semaphore, #tpu.memory_space<semaphore_mem>>
        %dma_start3A_76 = arith.constant 0 : i32
        %dma_start3A_77 = arith.constant 0 : i32
        %dma_start3A_78 = tpu.memref_slice %arg19[%dma_start3A_76, %dma_start3A_77] : memref<10112x128xf32, #tpu.memory_space<vmem_shared>> -> memref<10112x128xf32, #tpu.memory_space<vmem_shared>>
        tpu.enqueue_indirect_dma source(%arg15 : memref<80x128xf32, #tpu.memory_space<vmem>>) target(%dma_start3A_78 : memref<10112x128xf32, #tpu.memory_space<vmem_shared>>) offsets(%arg11 : memref<80xi32, #tpu.memory_space<vmem>>) semaphore(%run_scoped3A : memref<!tpu.dma_semaphore, #tpu.memory_space<semaphore_mem>>) {add = true}
        %dma_wait3A_79 = arith.constant 0 : i32
        %dma_wait3A_80 = arith.constant 0 : i32
        %dma_wait3A_81 = tpu.memref_slice %arg19[%dma_wait3A_79, %dma_wait3A_80] : memref<10112x128xf32, #tpu.memory_space<vmem_shared>> -> memref<10112x128xf32, #tpu.memory_space<vmem_shared>>
        tpu.wait_indirect_dma semaphore(%run_scoped3A : memref<!tpu.dma_semaphore, #tpu.memory_space<semaphore_mem>>) src(%arg15 : memref<80x128xf32, #tpu.memory_space<vmem>>) dst(%dma_wait3A_81 : memref<10112x128xf32, #tpu.memory_space<vmem_shared>>)
        tpu.yield
      }) : () -> ()
      %dma_wait3A_67 = arith.constant 0 : i32
      %dma_wait3A_68 = arith.constant 0 : i32
      %dma_wait3A_69 = tpu.memref_slice %arg2[%dma_wait3A_67, %dma_wait3A_68] : memref<10000x128xf32, #tpu.memory_space<hbm>> -> memref<10000x128xf32, #tpu.memory_space<hbm>>
      tpu.wait_indirect_dma semaphore(%arg21 : memref<!tpu.dma_semaphore, #tpu.memory_space<semaphore_mem>>) src(%dma_wait3A_69 : memref<10000x128xf32, #tpu.memory_space<hbm>>) dst(%arg16 : memref<80x128xf32, #tpu.memory_space<vmem>>)
      "tpu.region"() ({
        %run_scoped3A = tpu.sem_alloc : memref<!tpu.dma_semaphore, #tpu.memory_space<semaphore_mem>>
        %dma_start3A_76 = arith.constant 0 : i32
        %dma_start3A_77 = arith.constant 0 : i32
        %dma_start3A_78 = tpu.memref_slice %arg19[%dma_start3A_76, %dma_start3A_77] : memref<10112x128xf32, #tpu.memory_space<vmem_shared>> -> memref<10112x128xf32, #tpu.memory_space<vmem_shared>>
        tpu.enqueue_indirect_dma source(%arg16 : memref<80x128xf32, #tpu.memory_space<vmem>>) target(%dma_start3A_78 : memref<10112x128xf32, #tpu.memory_space<vmem_shared>>) offsets(%arg12 : memref<80xi32, #tpu.memory_space<vmem>>) semaphore(%run_scoped3A : memref<!tpu.dma_semaphore, #tpu.memory_space<semaphore_mem>>) {add = true}
        %dma_wait3A_79 = arith.constant 0 : i32
        %dma_wait3A_80 = arith.constant 0 : i32
        %dma_wait3A_81 = tpu.memref_slice %arg19[%dma_wait3A_79, %dma_wait3A_80] : memref<10112x128xf32, #tpu.memory_space<vmem_shared>> -> memref<10112x128xf32, #tpu.memory_space<vmem_shared>>
        tpu.wait_indirect_dma semaphore(%run_scoped3A : memref<!tpu.dma_semaphore, #tpu.memory_space<semaphore_mem>>) src(%arg16 : memref<80x128xf32, #tpu.memory_space<vmem>>) dst(%dma_wait3A_81 : memref<10112x128xf32, #tpu.memory_space<vmem_shared>>)
        tpu.yield
      }) : () -> ()
      %dma_wait3A_70 = arith.constant 0 : i32
      %dma_wait3A_71 = arith.constant 0 : i32
      %dma_wait3A_72 = tpu.memref_slice %arg2[%dma_wait3A_70, %dma_wait3A_71] : memref<10000x128xf32, #tpu.memory_space<hbm>> -> memref<10000x128xf32, #tpu.memory_space<hbm>>
      tpu.wait_indirect_dma semaphore(%arg22 : memref<!tpu.dma_semaphore, #tpu.memory_space<semaphore_mem>>) src(%dma_wait3A_72 : memref<10000x128xf32, #tpu.memory_space<hbm>>) dst(%arg17 : memref<80x128xf32, #tpu.memory_space<vmem>>)
      "tpu.region"() ({
        %run_scoped3A = tpu.sem_alloc : memref<!tpu.dma_semaphore, #tpu.memory_space<semaphore_mem>>
        %dma_start3A_76 = arith.constant 0 : i32
        %dma_start3A_77 = arith.constant 0 : i32
        %dma_start3A_78 = tpu.memref_slice %arg19[%dma_start3A_76, %dma_start3A_77] : memref<10112x128xf32, #tpu.memory_space<vmem_shared>> -> memref<10112x128xf32, #tpu.memory_space<vmem_shared>>
        tpu.enqueue_indirect_dma source(%arg17 : memref<80x128xf32, #tpu.memory_space<vmem>>) target(%dma_start3A_78 : memref<10112x128xf32, #tpu.memory_space<vmem_shared>>) offsets(%arg13 : memref<80xi32, #tpu.memory_space<vmem>>) semaphore(%run_scoped3A : memref<!tpu.dma_semaphore, #tpu.memory_space<semaphore_mem>>) {add = true}
        %dma_wait3A_79 = arith.constant 0 : i32
        %dma_wait3A_80 = arith.constant 0 : i32
        %dma_wait3A_81 = tpu.memref_slice %arg19[%dma_wait3A_79, %dma_wait3A_80] : memref<10112x128xf32, #tpu.memory_space<vmem_shared>> -> memref<10112x128xf32, #tpu.memory_space<vmem_shared>>
        tpu.wait_indirect_dma semaphore(%run_scoped3A : memref<!tpu.dma_semaphore, #tpu.memory_space<semaphore_mem>>) src(%arg17 : memref<80x128xf32, #tpu.memory_space<vmem>>) dst(%dma_wait3A_81 : memref<10112x128xf32, #tpu.memory_space<vmem_shared>>)
        tpu.yield
      }) : () -> ()
      %dma_wait3A_73 = arith.constant 0 : i32
      %dma_wait3A_74 = arith.constant 0 : i32
      %dma_wait3A_75 = tpu.memref_slice %arg2[%dma_wait3A_73, %dma_wait3A_74] : memref<10000x128xf32, #tpu.memory_space<hbm>> -> memref<10000x128xf32, #tpu.memory_space<hbm>>
      tpu.wait_indirect_dma semaphore(%arg23 : memref<!tpu.dma_semaphore, #tpu.memory_space<semaphore_mem>>) src(%dma_wait3A_75 : memref<10000x128xf32, #tpu.memory_space<hbm>>) dst(%arg18 : memref<80x128xf32, #tpu.memory_space<vmem>>)
      "tpu.region"() ({
        %run_scoped3A = tpu.sem_alloc : memref<!tpu.dma_semaphore, #tpu.memory_space<semaphore_mem>>
        %dma_start3A_76 = arith.constant 0 : i32
        %dma_start3A_77 = arith.constant 0 : i32
        %dma_start3A_78 = tpu.memref_slice %arg19[%dma_start3A_76, %dma_start3A_77] : memref<10112x128xf32, #tpu.memory_space<vmem_shared>> -> memref<10112x128xf32, #tpu.memory_space<vmem_shared>>
        tpu.enqueue_indirect_dma source(%arg18 : memref<80x128xf32, #tpu.memory_space<vmem>>) target(%dma_start3A_78 : memref<10112x128xf32, #tpu.memory_space<vmem_shared>>) offsets(%arg14 : memref<80xi32, #tpu.memory_space<vmem>>) semaphore(%run_scoped3A : memref<!tpu.dma_semaphore, #tpu.memory_space<semaphore_mem>>) {add = true}
        %dma_wait3A_79 = arith.constant 0 : i32
        %dma_wait3A_80 = arith.constant 0 : i32
        %dma_wait3A_81 = tpu.memref_slice %arg19[%dma_wait3A_79, %dma_wait3A_80] : memref<10112x128xf32, #tpu.memory_space<vmem_shared>> -> memref<10112x128xf32, #tpu.memory_space<vmem_shared>>
        tpu.wait_indirect_dma semaphore(%run_scoped3A : memref<!tpu.dma_semaphore, #tpu.memory_space<semaphore_mem>>) src(%arg18 : memref<80x128xf32, #tpu.memory_space<vmem>>) dst(%dma_wait3A_81 : memref<10112x128xf32, #tpu.memory_space<vmem_shared>>)
        tpu.yield
      }) : () -> ()
    }
    %scan3A_11 = arith.constant 31 : i32
    %add3A_12 = arith.constant 9920 : i32
    %add3A_13 = arith.addi %mul3A_6, %add3A_12 : i32
    "tpu.region"() ({
      %run_scoped3A = tpu.sem_alloc : memref<!tpu.dma_semaphore, #tpu.memory_space<semaphore_mem>>
      %dma_start3A_23 = tpu.memref_slice %arg3[%add3A_13] : memref<320000xi32, #tpu.memory_space<hbm>> -> memref<80xi32, #tpu.memory_space<hbm>>
      %dma_start3A_24 = tpu.memref_slice %arg3[%add3A_13] : memref<320000xi32, #tpu.memory_space<hbm>> -> memref<80xi32, #tpu.memory_space<hbm>>
      tpu.enqueue_dma source(%dma_start3A_24 : memref<80xi32, #tpu.memory_space<hbm>>) target(%arg7 : memref<80xi32, #tpu.memory_space<vmem>>) target_semaphore(%run_scoped3A : memref<!tpu.dma_semaphore, #tpu.memory_space<semaphore_mem>>)
      %dma_wait3A_25 = tpu.memref_slice %arg3[%add3A_13] : memref<320000xi32, #tpu.memory_space<hbm>> -> memref<80xi32, #tpu.memory_space<hbm>>
      %dma_wait3A_26 = tpu.memref_slice %arg3[%add3A_13] : memref<320000xi32, #tpu.memory_space<hbm>> -> memref<80xi32, #tpu.memory_space<hbm>>
      tpu.wait_dma2 semaphore(%run_scoped3A : memref<!tpu.dma_semaphore, #tpu.memory_space<semaphore_mem>>) src(%dma_wait3A_26 : memref<80xi32, #tpu.memory_space<hbm>>) dst(%arg7 : memref<80xi32, #tpu.memory_space<vmem>>)
      tpu.yield
    }) : () -> ()
    "tpu.region"() ({
      %run_scoped3A = tpu.sem_alloc : memref<!tpu.dma_semaphore, #tpu.memory_space<semaphore_mem>>
      %dma_start3A_23 = tpu.memref_slice %arg4[%add3A_13] : memref<320000xi32, #tpu.memory_space<hbm>> -> memref<80xi32, #tpu.memory_space<hbm>>
      %dma_start3A_24 = tpu.memref_slice %arg4[%add3A_13] : memref<320000xi32, #tpu.memory_space<hbm>> -> memref<80xi32, #tpu.memory_space<hbm>>
      tpu.enqueue_dma source(%dma_start3A_24 : memref<80xi32, #tpu.memory_space<hbm>>) target(%arg11 : memref<80xi32, #tpu.memory_space<vmem>>) target_semaphore(%run_scoped3A : memref<!tpu.dma_semaphore, #tpu.memory_space<semaphore_mem>>)
      %dma_wait3A_25 = tpu.memref_slice %arg4[%add3A_13] : memref<320000xi32, #tpu.memory_space<hbm>> -> memref<80xi32, #tpu.memory_space<hbm>>
      %dma_wait3A_26 = tpu.memref_slice %arg4[%add3A_13] : memref<320000xi32, #tpu.memory_space<hbm>> -> memref<80xi32, #tpu.memory_space<hbm>>
      tpu.wait_dma2 semaphore(%run_scoped3A : memref<!tpu.dma_semaphore, #tpu.memory_space<semaphore_mem>>) src(%dma_wait3A_26 : memref<80xi32, #tpu.memory_space<hbm>>) dst(%arg11 : memref<80xi32, #tpu.memory_space<vmem>>)
      tpu.yield
    }) : () -> ()
    %dma_start3A = arith.constant 0 : i32
    %dma_start3A_14 = arith.constant 0 : i32
    %dma_start3A_15 = tpu.memref_slice %arg2[%dma_start3A, %dma_start3A_14] : memref<10000x128xf32, #tpu.memory_space<hbm>> -> memref<10000x128xf32, #tpu.memory_space<hbm>>
    tpu.enqueue_indirect_dma source(%dma_start3A_15 : memref<10000x128xf32, #tpu.memory_space<hbm>>) target(%arg15 : memref<80x128xf32, #tpu.memory_space<vmem>>) offsets(%arg7 : memref<80xi32, #tpu.memory_space<vmem>>) semaphore(%arg20 : memref<!tpu.dma_semaphore, #tpu.memory_space<semaphore_mem>>)
    %dma_wait3A = arith.constant 0 : i32
    %dma_wait3A_16 = arith.constant 0 : i32
    %dma_wait3A_17 = tpu.memref_slice %arg2[%dma_wait3A, %dma_wait3A_16] : memref<10000x128xf32, #tpu.memory_space<hbm>> -> memref<10000x128xf32, #tpu.memory_space<hbm>>
    tpu.wait_indirect_dma semaphore(%arg20 : memref<!tpu.dma_semaphore, #tpu.memory_space<semaphore_mem>>) src(%dma_wait3A_17 : memref<10000x128xf32, #tpu.memory_space<hbm>>) dst(%arg15 : memref<80x128xf32, #tpu.memory_space<vmem>>)
    "tpu.region"() ({
      %run_scoped3A = tpu.sem_alloc : memref<!tpu.dma_semaphore, #tpu.memory_space<semaphore_mem>>
      %dma_start3A_23 = arith.constant 0 : i32
      %dma_start3A_24 = arith.constant 0 : i32
      %dma_start3A_25 = tpu.memref_slice %arg19[%dma_start3A_23, %dma_start3A_24] : memref<10112x128xf32, #tpu.memory_space<vmem_shared>> -> memref<10112x128xf32, #tpu.memory_space<vmem_shared>>
      tpu.enqueue_indirect_dma source(%arg15 : memref<80x128xf32, #tpu.memory_space<vmem>>) target(%dma_start3A_25 : memref<10112x128xf32, #tpu.memory_space<vmem_shared>>) offsets(%arg11 : memref<80xi32, #tpu.memory_space<vmem>>) semaphore(%run_scoped3A : memref<!tpu.dma_semaphore, #tpu.memory_space<semaphore_mem>>) {add = true}
      %dma_wait3A_26 = arith.constant 0 : i32
      %dma_wait3A_27 = arith.constant 0 : i32
      %dma_wait3A_28 = tpu.memref_slice %arg19[%dma_wait3A_26, %dma_wait3A_27] : memref<10112x128xf32, #tpu.memory_space<vmem_shared>> -> memref<10112x128xf32, #tpu.memory_space<vmem_shared>>
      tpu.wait_indirect_dma semaphore(%run_scoped3A : memref<!tpu.dma_semaphore, #tpu.memory_space<semaphore_mem>>) src(%arg15 : memref<80x128xf32, #tpu.memory_space<vmem>>) dst(%dma_wait3A_28 : memref<10112x128xf32, #tpu.memory_space<vmem_shared>>)
      tpu.yield
    }) : () -> ()
    %barrier3A_18 = arith.constant 0 : index
    tpu.barrier barrier_id(%barrier3A_18)
    %mul3A_19 = arith.constant 632 : i32
    %mul3A_20 = arith.muli %arg1, %mul3A_19 : i32
    %mul3A_21 = arith.constant 632 : i32
    %mul3A_22 = arith.muli %arg1, %mul3A_21 : i32
    "tpu.region"() ({
      %run_scoped3A = tpu.sem_alloc : memref<!tpu.dma_semaphore, #tpu.memory_space<semaphore_mem>>
      %dma_start3A_23 = arith.constant 0 : i32
      %dma_start3A_24 = tpu.memref_slice %arg6[%arg0, %mul3A_22, %dma_start3A_23] : memref<2x10112x128xf32, #tpu.memory_space<hbm>> -> memref<1x632x128xf32, #tpu.memory_space<hbm>>
      %dma_start3A_25 = tpu.memref_squeeze %dma_start3A_24 : memref<1x632x128xf32, #tpu.memory_space<hbm>> -> memref<632x128xf32, #tpu.memory_space<hbm>>
      %dma_start3A_26 = arith.constant 0 : i32
      %dma_start3A_27 = tpu.memref_slice %arg19[%mul3A_20, %dma_start3A_26] : memref<10112x128xf32, #tpu.memory_space<vmem_shared>> -> memref<632x128xf32, #tpu.memory_space<vmem_shared>>
      tpu.enqueue_dma source(%dma_start3A_27 : memref<632x128xf32, #tpu.memory_space<vmem_shared>>) target(%dma_start3A_25 : memref<632x128xf32, #tpu.memory_space<hbm>>) target_semaphore(%run_scoped3A : memref<!tpu.dma_semaphore, #tpu.memory_space<semaphore_mem>>)
      %dma_wait3A_28 = arith.constant 0 : i32
      %dma_wait3A_29 = tpu.memref_slice %arg6[%arg0, %mul3A_22, %dma_wait3A_28] : memref<2x10112x128xf32, #tpu.memory_space<hbm>> -> memref<1x632x128xf32, #tpu.memory_space<hbm>>
      %dma_wait3A_30 = tpu.memref_squeeze %dma_wait3A_29 : memref<1x632x128xf32, #tpu.memory_space<hbm>> -> memref<632x128xf32, #tpu.memory_space<hbm>>
      %dma_wait3A_31 = arith.constant 0 : i32
      %dma_wait3A_32 = tpu.memref_slice %arg19[%mul3A_20, %dma_wait3A_31] : memref<10112x128xf32, #tpu.memory_space<vmem_shared>> -> memref<632x128xf32, #tpu.memory_space<vmem_shared>>
      tpu.wait_dma2 semaphore(%run_scoped3A : memref<!tpu.dma_semaphore, #tpu.memory_space<semaphore_mem>>) src(%dma_wait3A_32 : memref<632x128xf32, #tpu.memory_space<vmem_shared>>) dst(%dma_wait3A_30 : memref<632x128xf32, #tpu.memory_space<hbm>>)
      tpu.yield
    }) : () -> ()
    return
  }
}

#map = affine_map<(d0, d1) -> (0, 0, 0)>
#map1 = affine_map<(d0, d1) -> (0)>
module attributes {stable_mosaic.version = 14 : i64} {
  func.func @deg_kernel(%arg0: i32, %arg1: i32, %arg2: memref<32x92x112xi32, #tpu.memory_space<hbm>>, %arg3: memref<112xf32, #tpu.memory_space<hbm>>, %arg4: memref<10112xf32, #tpu.memory_space<hbm>>, %arg5: memref<20224xf32, #tpu.memory_space<hbm>>, %arg6: memref<92x112xi32, #tpu.memory_space<vmem>>, %arg7: memref<112xf32, #tpu.memory_space<vmem>>, %arg8: memref<632xf32, #tpu.memory_space<vmem>>, %arg9: memref<10112xf32, #tpu.memory_space<vmem_shared>>, %arg10: memref<!tpu.dma_semaphore, #tpu.memory_space<semaphore_mem>>) attributes {dimension_semantics = [#tpu.dimension_semantics<core_parallel>, #tpu.dimension_semantics<subcore_parallel>], iteration_bounds = array<i64: 2, 16>, scalar_prefetch = 0 : i64, scratch_operands = 5 : i64, tpu.core_type = #tpu.core_type<sc_vector_subcore>, window_params = [{transform_indices = #map}, {transform_indices = #map1}, {transform_indices = #map1}, {transform_indices = #map1}]} {
    %mul3A = arith.constant 16 : i32
    %mul3A_0 = arith.muli %arg0, %mul3A : i32
    %add3A = arith.addi %mul3A_0, %arg1 : i32
    %mul3A_1 = arith.constant 632 : i32
    %mul3A_2 = arith.muli %arg1, %mul3A_1 : i32
    "tpu.region"() ({
      %run_scoped3A = tpu.sem_alloc : memref<!tpu.dma_semaphore, #tpu.memory_space<semaphore_mem>>
      %dma_start3A = tpu.memref_slice %arg4[%mul3A_2] : memref<10112xf32, #tpu.memory_space<hbm>> -> memref<632xf32, #tpu.memory_space<hbm>>
      %dma_start3A_18 = tpu.memref_slice %arg4[%mul3A_2] : memref<10112xf32, #tpu.memory_space<hbm>> -> memref<632xf32, #tpu.memory_space<hbm>>
      tpu.enqueue_dma source(%dma_start3A_18 : memref<632xf32, #tpu.memory_space<hbm>>) target(%arg8 : memref<632xf32, #tpu.memory_space<vmem>>) target_semaphore(%run_scoped3A : memref<!tpu.dma_semaphore, #tpu.memory_space<semaphore_mem>>)
      %dma_wait3A = tpu.memref_slice %arg4[%mul3A_2] : memref<10112xf32, #tpu.memory_space<hbm>> -> memref<632xf32, #tpu.memory_space<hbm>>
      %dma_wait3A_19 = tpu.memref_slice %arg4[%mul3A_2] : memref<10112xf32, #tpu.memory_space<hbm>> -> memref<632xf32, #tpu.memory_space<hbm>>
      tpu.wait_dma2 semaphore(%run_scoped3A : memref<!tpu.dma_semaphore, #tpu.memory_space<semaphore_mem>>) src(%dma_wait3A_19 : memref<632xf32, #tpu.memory_space<hbm>>) dst(%arg8 : memref<632xf32, #tpu.memory_space<vmem>>)
      tpu.yield
    }) : () -> ()
    %mul3A_3 = arith.constant 632 : i32
    %mul3A_4 = arith.muli %arg1, %mul3A_3 : i32
    "tpu.region"() ({
      %run_scoped3A = tpu.sem_alloc : memref<!tpu.dma_semaphore, #tpu.memory_space<semaphore_mem>>
      %dma_start3A = tpu.memref_slice %arg9[%mul3A_4] : memref<10112xf32, #tpu.memory_space<vmem_shared>> -> memref<632xf32, #tpu.memory_space<vmem_shared>>
      %dma_start3A_18 = tpu.memref_slice %arg9[%mul3A_4] : memref<10112xf32, #tpu.memory_space<vmem_shared>> -> memref<632xf32, #tpu.memory_space<vmem_shared>>
      tpu.enqueue_dma source(%arg8 : memref<632xf32, #tpu.memory_space<vmem>>) target(%dma_start3A_18 : memref<632xf32, #tpu.memory_space<vmem_shared>>) target_semaphore(%run_scoped3A : memref<!tpu.dma_semaphore, #tpu.memory_space<semaphore_mem>>)
      %dma_wait3A = tpu.memref_slice %arg9[%mul3A_4] : memref<10112xf32, #tpu.memory_space<vmem_shared>> -> memref<632xf32, #tpu.memory_space<vmem_shared>>
      %dma_wait3A_19 = tpu.memref_slice %arg9[%mul3A_4] : memref<10112xf32, #tpu.memory_space<vmem_shared>> -> memref<632xf32, #tpu.memory_space<vmem_shared>>
      tpu.wait_dma2 semaphore(%run_scoped3A : memref<!tpu.dma_semaphore, #tpu.memory_space<semaphore_mem>>) src(%arg8 : memref<632xf32, #tpu.memory_space<vmem>>) dst(%dma_wait3A_19 : memref<632xf32, #tpu.memory_space<vmem_shared>>)
      tpu.yield
    }) : () -> ()
    "tpu.region"() ({
      %run_scoped3A = tpu.sem_alloc : memref<!tpu.dma_semaphore, #tpu.memory_space<semaphore_mem>>
      tpu.enqueue_dma source(%arg3 : memref<112xf32, #tpu.memory_space<hbm>>) target(%arg7 : memref<112xf32, #tpu.memory_space<vmem>>) target_semaphore(%run_scoped3A : memref<!tpu.dma_semaphore, #tpu.memory_space<semaphore_mem>>)
      tpu.wait_dma2 semaphore(%run_scoped3A : memref<!tpu.dma_semaphore, #tpu.memory_space<semaphore_mem>>) src(%arg3 : memref<112xf32, #tpu.memory_space<hbm>>) dst(%arg7 : memref<112xf32, #tpu.memory_space<vmem>>)
      tpu.yield
    }) : () -> ()
    "tpu.region"() ({
      %run_scoped3A = tpu.sem_alloc : memref<!tpu.dma_semaphore, #tpu.memory_space<semaphore_mem>>
      %dma_start3A = arith.constant 0 : i32
      %dma_start3A_18 = arith.constant 0 : i32
      %dma_start3A_19 = tpu.memref_slice %arg2[%add3A, %dma_start3A, %dma_start3A_18] : memref<32x92x112xi32, #tpu.memory_space<hbm>> -> memref<1x92x112xi32, #tpu.memory_space<hbm>>
      %dma_start3A_20 = tpu.memref_squeeze %dma_start3A_19 : memref<1x92x112xi32, #tpu.memory_space<hbm>> -> memref<92x112xi32, #tpu.memory_space<hbm>>
      %dma_start3A_21 = arith.constant 0 : i32
      %dma_start3A_22 = arith.constant 0 : i32
      %dma_start3A_23 = tpu.memref_slice %arg2[%add3A, %dma_start3A_21, %dma_start3A_22] : memref<32x92x112xi32, #tpu.memory_space<hbm>> -> memref<1x92x112xi32, #tpu.memory_space<hbm>>
      %dma_start3A_24 = tpu.memref_squeeze %dma_start3A_23 : memref<1x92x112xi32, #tpu.memory_space<hbm>> -> memref<92x112xi32, #tpu.memory_space<hbm>>
      tpu.enqueue_dma source(%dma_start3A_24 : memref<92x112xi32, #tpu.memory_space<hbm>>) target(%arg6 : memref<92x112xi32, #tpu.memory_space<vmem>>) target_semaphore(%run_scoped3A : memref<!tpu.dma_semaphore, #tpu.memory_space<semaphore_mem>>)
      %dma_wait3A = arith.constant 0 : i32
      %dma_wait3A_25 = arith.constant 0 : i32
      %dma_wait3A_26 = tpu.memref_slice %arg2[%add3A, %dma_wait3A, %dma_wait3A_25] : memref<32x92x112xi32, #tpu.memory_space<hbm>> -> memref<1x92x112xi32, #tpu.memory_space<hbm>>
      %dma_wait3A_27 = tpu.memref_squeeze %dma_wait3A_26 : memref<1x92x112xi32, #tpu.memory_space<hbm>> -> memref<92x112xi32, #tpu.memory_space<hbm>>
      %dma_wait3A_28 = arith.constant 0 : i32
      %dma_wait3A_29 = arith.constant 0 : i32
      %dma_wait3A_30 = tpu.memref_slice %arg2[%add3A, %dma_wait3A_28, %dma_wait3A_29] : memref<32x92x112xi32, #tpu.memory_space<hbm>> -> memref<1x92x112xi32, #tpu.memory_space<hbm>>
      %dma_wait3A_31 = tpu.memref_squeeze %dma_wait3A_30 : memref<1x92x112xi32, #tpu.memory_space<hbm>> -> memref<92x112xi32, #tpu.memory_space<hbm>>
      tpu.wait_dma2 semaphore(%run_scoped3A : memref<!tpu.dma_semaphore, #tpu.memory_space<semaphore_mem>>) src(%dma_wait3A_31 : memref<92x112xi32, #tpu.memory_space<hbm>>) dst(%arg6 : memref<92x112xi32, #tpu.memory_space<vmem>>)
      tpu.yield
    }) : () -> ()
    %barrier3A = arith.constant 0 : index
    tpu.barrier barrier_id(%barrier3A)
    %scan3A = arith.constant 0 : i32
    %scan3A_5 = arith.constant 0 : i32
    %scan3A_6 = arith.constant 23 : i32
    %scan3A_7 = arith.addi %scan3A_5, %scan3A_6 : i32
    %scan3A_8 = arith.constant 1 : i32
    scf.for %scan3A_18 = %scan3A_5 to %scan3A_7 step %scan3A_8  : i32 {
      %mul3A_19 = arith.constant 4 : i32
      %mul3A_20 = arith.muli %scan3A_18, %mul3A_19 : i32
      %add3A_21 = arith.constant 0 : i32
      %add3A_22 = arith.addi %mul3A_20, %add3A_21 : i32
      %dma_start3A = arith.constant 0 : i32
      %dma_start3A_23 = tpu.memref_slice %arg6[%add3A_22, %dma_start3A] : memref<92x112xi32, #tpu.memory_space<vmem>> -> memref<1x112xi32, #tpu.memory_space<vmem>>
      %dma_start3A_24 = tpu.memref_squeeze %dma_start3A_23 : memref<1x112xi32, #tpu.memory_space<vmem>> -> memref<112xi32, #tpu.memory_space<vmem>>
      %dma_start3A_25 = arith.constant 0 : i32
      %dma_start3A_26 = tpu.memref_slice %arg9[%dma_start3A_25] : memref<10112xf32, #tpu.memory_space<vmem_shared>> -> memref<10112xf32, #tpu.memory_space<vmem_shared>>
      tpu.enqueue_indirect_dma source(%arg7 : memref<112xf32, #tpu.memory_space<vmem>>) target(%dma_start3A_26 : memref<10112xf32, #tpu.memory_space<vmem_shared>>) offsets(%dma_start3A_24 : memref<112xi32, #tpu.memory_space<vmem>>) semaphore(%arg10 : memref<!tpu.dma_semaphore, #tpu.memory_space<semaphore_mem>>) {add = true}
      %mul3A_27 = arith.constant 4 : i32
      %mul3A_28 = arith.muli %scan3A_18, %mul3A_27 : i32
      %add3A_29 = arith.constant 1 : i32
      %add3A_30 = arith.addi %mul3A_28, %add3A_29 : i32
      %dma_start3A_31 = arith.constant 0 : i32
      %dma_start3A_32 = tpu.memref_slice %arg6[%add3A_30, %dma_start3A_31] : memref<92x112xi32, #tpu.memory_space<vmem>> -> memref<1x112xi32, #tpu.memory_space<vmem>>
      %dma_start3A_33 = tpu.memref_squeeze %dma_start3A_32 : memref<1x112xi32, #tpu.memory_space<vmem>> -> memref<112xi32, #tpu.memory_space<vmem>>
      %dma_start3A_34 = arith.constant 0 : i32
      %dma_start3A_35 = tpu.memref_slice %arg9[%dma_start3A_34] : memref<10112xf32, #tpu.memory_space<vmem_shared>> -> memref<10112xf32, #tpu.memory_space<vmem_shared>>
      tpu.enqueue_indirect_dma source(%arg7 : memref<112xf32, #tpu.memory_space<vmem>>) target(%dma_start3A_35 : memref<10112xf32, #tpu.memory_space<vmem_shared>>) offsets(%dma_start3A_33 : memref<112xi32, #tpu.memory_space<vmem>>) semaphore(%arg10 : memref<!tpu.dma_semaphore, #tpu.memory_space<semaphore_mem>>) {add = true}
      %mul3A_36 = arith.constant 4 : i32
      %mul3A_37 = arith.muli %scan3A_18, %mul3A_36 : i32
      %add3A_38 = arith.constant 2 : i32
      %add3A_39 = arith.addi %mul3A_37, %add3A_38 : i32
      %dma_start3A_40 = arith.constant 0 : i32
      %dma_start3A_41 = tpu.memref_slice %arg6[%add3A_39, %dma_start3A_40] : memref<92x112xi32, #tpu.memory_space<vmem>> -> memref<1x112xi32, #tpu.memory_space<vmem>>
      %dma_start3A_42 = tpu.memref_squeeze %dma_start3A_41 : memref<1x112xi32, #tpu.memory_space<vmem>> -> memref<112xi32, #tpu.memory_space<vmem>>
      %dma_start3A_43 = arith.constant 0 : i32
      %dma_start3A_44 = tpu.memref_slice %arg9[%dma_start3A_43] : memref<10112xf32, #tpu.memory_space<vmem_shared>> -> memref<10112xf32, #tpu.memory_space<vmem_shared>>
      tpu.enqueue_indirect_dma source(%arg7 : memref<112xf32, #tpu.memory_space<vmem>>) target(%dma_start3A_44 : memref<10112xf32, #tpu.memory_space<vmem_shared>>) offsets(%dma_start3A_42 : memref<112xi32, #tpu.memory_space<vmem>>) semaphore(%arg10 : memref<!tpu.dma_semaphore, #tpu.memory_space<semaphore_mem>>) {add = true}
      %mul3A_45 = arith.constant 4 : i32
      %mul3A_46 = arith.muli %scan3A_18, %mul3A_45 : i32
      %add3A_47 = arith.constant 3 : i32
      %add3A_48 = arith.addi %mul3A_46, %add3A_47 : i32
      %dma_start3A_49 = arith.constant 0 : i32
      %dma_start3A_50 = tpu.memref_slice %arg6[%add3A_48, %dma_start3A_49] : memref<92x112xi32, #tpu.memory_space<vmem>> -> memref<1x112xi32, #tpu.memory_space<vmem>>
      %dma_start3A_51 = tpu.memref_squeeze %dma_start3A_50 : memref<1x112xi32, #tpu.memory_space<vmem>> -> memref<112xi32, #tpu.memory_space<vmem>>
      %dma_start3A_52 = arith.constant 0 : i32
      %dma_start3A_53 = tpu.memref_slice %arg9[%dma_start3A_52] : memref<10112xf32, #tpu.memory_space<vmem_shared>> -> memref<10112xf32, #tpu.memory_space<vmem_shared>>
      tpu.enqueue_indirect_dma source(%arg7 : memref<112xf32, #tpu.memory_space<vmem>>) target(%dma_start3A_53 : memref<10112xf32, #tpu.memory_space<vmem_shared>>) offsets(%dma_start3A_51 : memref<112xi32, #tpu.memory_space<vmem>>) semaphore(%arg10 : memref<!tpu.dma_semaphore, #tpu.memory_space<semaphore_mem>>) {add = true}
      %dma_wait3A = arith.constant 0 : i32
      %dma_wait3A_54 = tpu.memref_slice %arg6[%add3A_22, %dma_wait3A] : memref<92x112xi32, #tpu.memory_space<vmem>> -> memref<1x112xi32, #tpu.memory_space<vmem>>
      %dma_wait3A_55 = tpu.memref_squeeze %dma_wait3A_54 : memref<1x112xi32, #tpu.memory_space<vmem>> -> memref<112xi32, #tpu.memory_space<vmem>>
      %dma_wait3A_56 = arith.constant 0 : i32
      %dma_wait3A_57 = tpu.memref_slice %arg9[%dma_wait3A_56] : memref<10112xf32, #tpu.memory_space<vmem_shared>> -> memref<10112xf32, #tpu.memory_space<vmem_shared>>
      tpu.wait_indirect_dma semaphore(%arg10 : memref<!tpu.dma_semaphore, #tpu.memory_space<semaphore_mem>>) src(%arg7 : memref<112xf32, #tpu.memory_space<vmem>>) dst(%dma_wait3A_57 : memref<10112xf32, #tpu.memory_space<vmem_shared>>)
      %dma_wait3A_58 = arith.constant 0 : i32
      %dma_wait3A_59 = tpu.memref_slice %arg6[%add3A_30, %dma_wait3A_58] : memref<92x112xi32, #tpu.memory_space<vmem>> -> memref<1x112xi32, #tpu.memory_space<vmem>>
      %dma_wait3A_60 = tpu.memref_squeeze %dma_wait3A_59 : memref<1x112xi32, #tpu.memory_space<vmem>> -> memref<112xi32, #tpu.memory_space<vmem>>
      %dma_wait3A_61 = arith.constant 0 : i32
      %dma_wait3A_62 = tpu.memref_slice %arg9[%dma_wait3A_61] : memref<10112xf32, #tpu.memory_space<vmem_shared>> -> memref<10112xf32, #tpu.memory_space<vmem_shared>>
      tpu.wait_indirect_dma semaphore(%arg10 : memref<!tpu.dma_semaphore, #tpu.memory_space<semaphore_mem>>) src(%arg7 : memref<112xf32, #tpu.memory_space<vmem>>) dst(%dma_wait3A_62 : memref<10112xf32, #tpu.memory_space<vmem_shared>>)
      %dma_wait3A_63 = arith.constant 0 : i32
      %dma_wait3A_64 = tpu.memref_slice %arg6[%add3A_39, %dma_wait3A_63] : memref<92x112xi32, #tpu.memory_space<vmem>> -> memref<1x112xi32, #tpu.memory_space<vmem>>
      %dma_wait3A_65 = tpu.memref_squeeze %dma_wait3A_64 : memref<1x112xi32, #tpu.memory_space<vmem>> -> memref<112xi32, #tpu.memory_space<vmem>>
      %dma_wait3A_66 = arith.constant 0 : i32
      %dma_wait3A_67 = tpu.memref_slice %arg9[%dma_wait3A_66] : memref<10112xf32, #tpu.memory_space<vmem_shared>> -> memref<10112xf32, #tpu.memory_space<vmem_shared>>
      tpu.wait_indirect_dma semaphore(%arg10 : memref<!tpu.dma_semaphore, #tpu.memory_space<semaphore_mem>>) src(%arg7 : memref<112xf32, #tpu.memory_space<vmem>>) dst(%dma_wait3A_67 : memref<10112xf32, #tpu.memory_space<vmem_shared>>)
      %dma_wait3A_68 = arith.constant 0 : i32
      %dma_wait3A_69 = tpu.memref_slice %arg6[%add3A_48, %dma_wait3A_68] : memref<92x112xi32, #tpu.memory_space<vmem>> -> memref<1x112xi32, #tpu.memory_space<vmem>>
      %dma_wait3A_70 = tpu.memref_squeeze %dma_wait3A_69 : memref<1x112xi32, #tpu.memory_space<vmem>> -> memref<112xi32, #tpu.memory_space<vmem>>
      %dma_wait3A_71 = arith.constant 0 : i32
      %dma_wait3A_72 = tpu.memref_slice %arg9[%dma_wait3A_71] : memref<10112xf32, #tpu.memory_space<vmem_shared>> -> memref<10112xf32, #tpu.memory_space<vmem_shared>>
      tpu.wait_indirect_dma semaphore(%arg10 : memref<!tpu.dma_semaphore, #tpu.memory_space<semaphore_mem>>) src(%arg7 : memref<112xf32, #tpu.memory_space<vmem>>) dst(%dma_wait3A_72 : memref<10112xf32, #tpu.memory_space<vmem_shared>>)
    }
    %scan3A_9 = arith.constant 23 : i32
    %barrier3A_10 = arith.constant 0 : index
    tpu.barrier barrier_id(%barrier3A_10)
    %mul3A_11 = arith.constant 632 : i32
    %mul3A_12 = arith.muli %arg1, %mul3A_11 : i32
    "tpu.region"() ({
      %run_scoped3A = tpu.sem_alloc : memref<!tpu.dma_semaphore, #tpu.memory_space<semaphore_mem>>
      %dma_start3A = tpu.memref_slice %arg9[%mul3A_12] : memref<10112xf32, #tpu.memory_space<vmem_shared>> -> memref<632xf32, #tpu.memory_space<vmem_shared>>
      %dma_start3A_18 = tpu.memref_slice %arg9[%mul3A_12] : memref<10112xf32, #tpu.memory_space<vmem_shared>> -> memref<632xf32, #tpu.memory_space<vmem_shared>>
      tpu.enqueue_dma source(%dma_start3A_18 : memref<632xf32, #tpu.memory_space<vmem_shared>>) target(%arg8 : memref<632xf32, #tpu.memory_space<vmem>>) target_semaphore(%run_scoped3A : memref<!tpu.dma_semaphore, #tpu.memory_space<semaphore_mem>>)
      %dma_wait3A = tpu.memref_slice %arg9[%mul3A_12] : memref<10112xf32, #tpu.memory_space<vmem_shared>> -> memref<632xf32, #tpu.memory_space<vmem_shared>>
      %dma_wait3A_19 = tpu.memref_slice %arg9[%mul3A_12] : memref<10112xf32, #tpu.memory_space<vmem_shared>> -> memref<632xf32, #tpu.memory_space<vmem_shared>>
      tpu.wait_dma2 semaphore(%run_scoped3A : memref<!tpu.dma_semaphore, #tpu.memory_space<semaphore_mem>>) src(%dma_wait3A_19 : memref<632xf32, #tpu.memory_space<vmem_shared>>) dst(%arg8 : memref<632xf32, #tpu.memory_space<vmem>>)
      tpu.yield
    }) : () -> ()
    %mul3A_13 = arith.constant 10112 : i32
    %mul3A_14 = arith.muli %arg0, %mul3A_13 : i32
    %mul3A_15 = arith.constant 632 : i32
    %mul3A_16 = arith.muli %arg1, %mul3A_15 : i32
    %add3A_17 = arith.addi %mul3A_14, %mul3A_16 : i32
    "tpu.region"() ({
      %run_scoped3A = tpu.sem_alloc : memref<!tpu.dma_semaphore, #tpu.memory_space<semaphore_mem>>
      %dma_start3A = tpu.memref_slice %arg5[%add3A_17] : memref<20224xf32, #tpu.memory_space<hbm>> -> memref<632xf32, #tpu.memory_space<hbm>>
      %dma_start3A_18 = tpu.memref_slice %arg5[%add3A_17] : memref<20224xf32, #tpu.memory_space<hbm>> -> memref<632xf32, #tpu.memory_space<hbm>>
      tpu.enqueue_dma source(%arg8 : memref<632xf32, #tpu.memory_space<vmem>>) target(%dma_start3A_18 : memref<632xf32, #tpu.memory_space<hbm>>) target_semaphore(%run_scoped3A : memref<!tpu.dma_semaphore, #tpu.memory_space<semaphore_mem>>)
      %dma_wait3A = tpu.memref_slice %arg5[%add3A_17] : memref<20224xf32, #tpu.memory_space<hbm>> -> memref<632xf32, #tpu.memory_space<hbm>>
      %dma_wait3A_19 = tpu.memref_slice %arg5[%add3A_17] : memref<20224xf32, #tpu.memory_space<hbm>> -> memref<632xf32, #tpu.memory_space<hbm>>
      tpu.wait_dma2 semaphore(%run_scoped3A : memref<!tpu.dma_semaphore, #tpu.memory_space<semaphore_mem>>) src(%arg8 : memref<632xf32, #tpu.memory_space<vmem>>) dst(%dma_wait3A_19 : memref<632xf32, #tpu.memory_space<hbm>>)
      tpu.yield
    }) : () -> ()
    return
  }
}

module attributes {stable_mosaic.version = 14 : i64} {
  func.func @body(%arg0: i32, %arg1: memref<1000x128xf32, #tpu.memory_space<vmem>>, %arg2: memref<1000x1xf32, #tpu.memory_space<vmem>>, %arg3: memref<1000x1xf32, #tpu.memory_space<vmem>>, %arg4: memref<128x128xf32, #tpu.memory_space<vmem>>, %arg5: memref<1000x128xf32, #tpu.memory_space<vmem>>) attributes {dimension_semantics = [#tpu.dimension_semantics<arbitrary>], iteration_bounds = array<i64: 10>, scalar_prefetch = 0 : i64, scratch_operands = 0 : i64, tpu.core_type = #tpu.core_type<tc>, window_params = [{transform_indices = @transform_0, window_bounds = array<i64: 1000, 128>}, {transform_indices = @transform_1, window_bounds = array<i64: 1000, 1>}, {transform_indices = @transform_2, window_bounds = array<i64: 1000, 1>}, {pipeline_mode = #tpu.pipeline_mode<synchronous>, transform_indices = @transform_3, window_bounds = array<i64: 128, 128>}, {transform_indices = @transform_4, window_bounds = array<i64: 1000, 128>}]} {
    %get3A = arith.constant 0 : index
    %get3A_0 = arith.constant 0 : index
    %get3A_1 = vector.load %arg2[%get3A, %get3A_0] : memref<1000x1xf32, #tpu.memory_space<vmem>>, vector<1000x1xf32>
    %get3A_2 = arith.constant 0 : index
    %get3A_3 = arith.constant 0 : index
    %get3A_4 = vector.load %arg3[%get3A_2, %get3A_3] : memref<1000x1xf32, #tpu.memory_space<vmem>>, vector<1000x1xf32>
    %add3A = arith.addf %get3A_1, %get3A_4 : vector<1000x1xf32>
    %add3A_5 = arith.constant 1.000000e+00 : f32
    %add3A_6 = vector.broadcast %add3A_5 : f32 to vector<1000x1xf32>
    %add3A_7 = arith.addf %add3A, %add3A_6 : vector<1000x1xf32>
    %rsqrt3A = math.rsqrt %add3A_7 : vector<1000x1xf32>
    %get3A_8 = arith.constant 0 : index
    %get3A_9 = arith.constant 0 : index
    %get3A_10 = vector.load %arg1[%get3A_8, %get3A_9] : memref<1000x128xf32, #tpu.memory_space<vmem>>, vector<1000x128xf32>
    %mul3A = vector.broadcast %rsqrt3A : vector<1000x1xf32> to vector<1000x128xf32>
    %mul3A_11 = arith.mulf %get3A_10, %mul3A : vector<1000x128xf32>
    %get3A_12 = arith.constant 0 : index
    %get3A_13 = arith.constant 0 : index
    %get3A_14 = vector.load %arg4[%get3A_12, %get3A_13] : memref<128x128xf32, #tpu.memory_space<vmem>>, vector<128x128xf32>
    %dot_general3A = arith.constant dense<0.000000e+00> : vector<1000x128xf32>
    %dot_general3A_15 = tpu.matmul %mul3A_11, %get3A_14, %dot_general3A {dimension_numbers = #tpu.dot_dimension_numbers<[1], [0], [0], [1], [0, 0, 1, 1], [], []>, transpose_lhs_hint = false} : vector<1000x128xf32>, vector<128x128xf32>, vector<1000x128xf32> -> vector<1000x128xf32>
    %swap3A = arith.constant 0 : index
    %swap3A_16 = arith.constant 0 : index
    %swap3A_17 = vector.load %arg5[%swap3A, %swap3A_16] : memref<1000x128xf32, #tpu.memory_space<vmem>>, vector<1000x128xf32>
    tpu.vector_store %arg5[%swap3A, %swap3A_16], %dot_general3A_15 {strides = array<i32>} : memref<1000x128xf32, #tpu.memory_space<vmem>>, vector<1000x128xf32>,
    return
  }
  func.func @transform_0(%arg0: i32) -> (i32, i32) {
    %c0_i32 = arith.constant 0 : i32
    %c0_i32_0 = arith.constant 0 : i32
    return %arg0, %c0_i32 : i32, i32
  }
  func.func @transform_1(%arg0: i32) -> (i32, i32) {
    %c0_i32 = arith.constant 0 : i32
    %c0_i32_0 = arith.constant 0 : i32
    return %arg0, %c0_i32 : i32, i32
  }
  func.func @transform_2(%arg0: i32) -> (i32, i32) {
    %c0_i32 = arith.constant 0 : i32
    %c0_i32_0 = arith.constant 0 : i32
    return %arg0, %c0_i32 : i32, i32
  }
  func.func @transform_3(%arg0: i32) -> (i32, i32) {
    %c0_i32 = arith.constant 0 : i32
    %c0_i32_0 = arith.constant 0 : i32
    %c0_i32_1 = arith.constant 0 : i32
    return %c0_i32, %c0_i32_0 : i32, i32
  }
  func.func @transform_4(%arg0: i32) -> (i32, i32) {
    %c0_i32 = arith.constant 0 : i32
    %c0_i32_0 = arith.constant 0 : i32
    return %arg0, %c0_i32 : i32, i32
  }
}

module attributes {stable_mosaic.version = 14 : i64} {
  func.func @body(%arg0: i32, %arg1: memref<1000x128xf32, #tpu.memory_space<vmem>>, %arg2: memref<1000x128xf32, #tpu.memory_space<vmem>>, %arg3: memref<1000x128xf32, #tpu.memory_space<vmem>>, %arg4: memref<1000x1xf32, #tpu.memory_space<vmem>>, %arg5: memref<1000x1xf32, #tpu.memory_space<vmem>>, %arg6: memref<1x128xf32, #tpu.memory_space<vmem>>, %arg7: memref<128x128xf32, #tpu.memory_space<vmem>>, %arg8: memref<1000x128xf32, #tpu.memory_space<vmem>>) attributes {dimension_semantics = [#tpu.dimension_semantics<arbitrary>], iteration_bounds = array<i64: 10>, scalar_prefetch = 0 : i64, scratch_operands = 0 : i64, tpu.core_type = #tpu.core_type<tc>, window_params = [{transform_indices = @transform_0, window_bounds = array<i64: 1000, 128>}, {transform_indices = @transform_1, window_bounds = array<i64: 1000, 128>}, {transform_indices = @transform_2, window_bounds = array<i64: 1000, 128>}, {transform_indices = @transform_3, window_bounds = array<i64: 1000, 1>}, {transform_indices = @transform_4, window_bounds = array<i64: 1000, 1>}, {pipeline_mode = #tpu.pipeline_mode<synchronous>, transform_indices = @transform_5, window_bounds = array<i64: 1, 128>}, {pipeline_mode = #tpu.pipeline_mode<synchronous>, transform_indices = @transform_6, window_bounds = array<i64: 128, 128>}, {transform_indices = @transform_7, window_bounds = array<i64: 1000, 128>}]} {
    %get3A = arith.constant 0 : index
    %get3A_0 = arith.constant 0 : index
    %get3A_1 = vector.load %arg4[%get3A, %get3A_0] : memref<1000x1xf32, #tpu.memory_space<vmem>>, vector<1000x1xf32>
    %get3A_2 = arith.constant 0 : index
    %get3A_3 = arith.constant 0 : index
    %get3A_4 = vector.load %arg5[%get3A_2, %get3A_3] : memref<1000x1xf32, #tpu.memory_space<vmem>>, vector<1000x1xf32>
    %add3A = arith.addf %get3A_1, %get3A_4 : vector<1000x1xf32>
    %add3A_5 = arith.constant 1.000000e+00 : f32
    %add3A_6 = vector.broadcast %add3A_5 : f32 to vector<1000x1xf32>
    %add3A_7 = arith.addf %add3A, %add3A_6 : vector<1000x1xf32>
    %rsqrt3A = math.rsqrt %add3A_7 : vector<1000x1xf32>
    %get3A_8 = arith.constant 0 : index
    %get3A_9 = arith.constant 0 : index
    %get3A_10 = vector.load %arg1[%get3A_8, %get3A_9] : memref<1000x128xf32, #tpu.memory_space<vmem>>, vector<1000x128xf32>
    %get3A_11 = arith.constant 0 : index
    %get3A_12 = arith.constant 0 : index
    %get3A_13 = vector.load %arg2[%get3A_11, %get3A_12] : memref<1000x128xf32, #tpu.memory_space<vmem>>, vector<1000x128xf32>
    %add3A_14 = arith.addf %get3A_10, %get3A_13 : vector<1000x128xf32>
    %get3A_15 = arith.constant 0 : index
    %get3A_16 = arith.constant 0 : index
    %get3A_17 = vector.load %arg3[%get3A_15, %get3A_16] : memref<1000x128xf32, #tpu.memory_space<vmem>>, vector<1000x128xf32>
    %add3A_18 = arith.addf %add3A_14, %get3A_17 : vector<1000x128xf32>
    %mul3A = vector.broadcast %rsqrt3A : vector<1000x1xf32> to vector<1000x128xf32>
    %mul3A_19 = arith.mulf %add3A_18, %mul3A : vector<1000x128xf32>
    %get3A_20 = arith.constant 0 : index
    %get3A_21 = arith.constant 0 : index
    %get3A_22 = vector.load %arg6[%get3A_20, %get3A_21] : memref<1x128xf32, #tpu.memory_space<vmem>>, vector<1x128xf32>
    %add3A_23 = vector.broadcast %get3A_22 : vector<1x128xf32> to vector<1000x128xf32>
    %add3A_24 = arith.addf %mul3A_19, %add3A_23 : vector<1000x128xf32>
    %max3A = arith.constant 0.000000e+00 : f32
    %max3A_25 = vector.broadcast %max3A : f32 to vector<1000x128xf32>
    %max3A_26 = arith.maximumf %add3A_24, %max3A_25 : vector<1000x128xf32>
    %mul3A_27 = vector.broadcast %rsqrt3A : vector<1000x1xf32> to vector<1000x128xf32>
    %mul3A_28 = arith.mulf %max3A_26, %mul3A_27 : vector<1000x128xf32>
    %get3A_29 = arith.constant 0 : index
    %get3A_30 = arith.constant 0 : index
    %get3A_31 = vector.load %arg7[%get3A_29, %get3A_30] : memref<128x128xf32, #tpu.memory_space<vmem>>, vector<128x128xf32>
    %dot_general3A = arith.constant dense<0.000000e+00> : vector<1000x128xf32>
    %dot_general3A_32 = tpu.matmul %mul3A_28, %get3A_31, %dot_general3A {dimension_numbers = #tpu.dot_dimension_numbers<[1], [0], [0], [1], [0, 0, 1, 1], [], []>, transpose_lhs_hint = false} : vector<1000x128xf32>, vector<128x128xf32>, vector<1000x128xf32> -> vector<1000x128xf32>
    %swap3A = arith.constant 0 : index
    %swap3A_33 = arith.constant 0 : index
    %swap3A_34 = vector.load %arg8[%swap3A, %swap3A_33] : memref<1000x128xf32, #tpu.memory_space<vmem>>, vector<1000x128xf32>
    tpu.vector_store %arg8[%swap3A, %swap3A_33], %dot_general3A_32 {strides = array<i32>} : memref<1000x128xf32, #tpu.memory_space<vmem>>, vector<1000x128xf32>,
    return
  }
  func.func @transform_0(%arg0: i32) -> (i32, i32) {
    %c0_i32 = arith.constant 0 : i32
    %c0_i32_0 = arith.constant 0 : i32
    return %arg0, %c0_i32 : i32, i32
  }
  func.func @transform_1(%arg0: i32) -> (i32, i32) {
    %c0_i32 = arith.constant 0 : i32
    %c0_i32_0 = arith.constant 0 : i32
    return %arg0, %c0_i32 : i32, i32
  }
  func.func @transform_2(%arg0: i32) -> (i32, i32) {
    %c0_i32 = arith.constant 0 : i32
    %c0_i32_0 = arith.constant 0 : i32
    return %arg0, %c0_i32 : i32, i32
  }
  func.func @transform_3(%arg0: i32) -> (i32, i32) {
    %c0_i32 = arith.constant 0 : i32
    %c0_i32_0 = arith.constant 0 : i32
    return %arg0, %c0_i32 : i32, i32
  }
  func.func @transform_4(%arg0: i32) -> (i32, i32) {
    %c0_i32 = arith.constant 0 : i32
    %c0_i32_0 = arith.constant 0 : i32
    return %arg0, %c0_i32 : i32, i32
  }
  func.func @transform_5(%arg0: i32) -> (i32, i32) {
    %c0_i32 = arith.constant 0 : i32
    %c0_i32_0 = arith.constant 0 : i32
    %c0_i32_1 = arith.constant 0 : i32
    return %c0_i32, %c0_i32_0 : i32, i32
  }
  func.func @transform_6(%arg0: i32) -> (i32, i32) {
    %c0_i32 = arith.constant 0 : i32
    %c0_i32_0 = arith.constant 0 : i32
    %c0_i32_1 = arith.constant 0 : i32
    return %c0_i32, %c0_i32_0 : i32, i32
  }
  func.func @transform_7(%arg0: i32) -> (i32, i32) {
    %c0_i32 = arith.constant 0 : i32
    %c0_i32_0 = arith.constant 0 : i32
    return %arg0, %c0_i32 : i32, i32
  }
}

module attributes {stable_mosaic.version = 14 : i64} {
  func.func @body(%arg0: i32, %arg1: memref<1000x128xf32, #tpu.memory_space<vmem>>, %arg2: memref<1000x128xf32, #tpu.memory_space<vmem>>, %arg3: memref<1000x128xf32, #tpu.memory_space<vmem>>, %arg4: memref<1000x1xf32, #tpu.memory_space<vmem>>, %arg5: memref<1000x1xf32, #tpu.memory_space<vmem>>, %arg6: memref<1x128xf32, #tpu.memory_space<vmem>>, %arg7: memref<128x64xf32, #tpu.memory_space<vmem>>, %arg8: memref<1x64xf32, #tpu.memory_space<vmem>>, %arg9: memref<1000x64xf32, #tpu.memory_space<vmem>>) attributes {dimension_semantics = [#tpu.dimension_semantics<arbitrary>], iteration_bounds = array<i64: 10>, scalar_prefetch = 0 : i64, scratch_operands = 0 : i64, tpu.core_type = #tpu.core_type<tc>, window_params = [{transform_indices = @transform_0, window_bounds = array<i64: 1000, 128>}, {transform_indices = @transform_1, window_bounds = array<i64: 1000, 128>}, {transform_indices = @transform_2, window_bounds = array<i64: 1000, 128>}, {transform_indices = @transform_3, window_bounds = array<i64: 1000, 1>}, {transform_indices = @transform_4, window_bounds = array<i64: 1000, 1>}, {pipeline_mode = #tpu.pipeline_mode<synchronous>, transform_indices = @transform_5, window_bounds = array<i64: 1, 128>}, {pipeline_mode = #tpu.pipeline_mode<synchronous>, transform_indices = @transform_6, window_bounds = array<i64: 128, 64>}, {pipeline_mode = #tpu.pipeline_mode<synchronous>, transform_indices = @transform_7, window_bounds = array<i64: 1, 64>}, {transform_indices = @transform_8, window_bounds = array<i64: 1000, 64>}]} {
    %get3A = arith.constant 0 : index
    %get3A_0 = arith.constant 0 : index
    %get3A_1 = vector.load %arg4[%get3A, %get3A_0] : memref<1000x1xf32, #tpu.memory_space<vmem>>, vector<1000x1xf32>
    %get3A_2 = arith.constant 0 : index
    %get3A_3 = arith.constant 0 : index
    %get3A_4 = vector.load %arg5[%get3A_2, %get3A_3] : memref<1000x1xf32, #tpu.memory_space<vmem>>, vector<1000x1xf32>
    %add3A = arith.addf %get3A_1, %get3A_4 : vector<1000x1xf32>
    %add3A_5 = arith.constant 1.000000e+00 : f32
    %add3A_6 = vector.broadcast %add3A_5 : f32 to vector<1000x1xf32>
    %add3A_7 = arith.addf %add3A, %add3A_6 : vector<1000x1xf32>
    %rsqrt3A = math.rsqrt %add3A_7 : vector<1000x1xf32>
    %get3A_8 = arith.constant 0 : index
    %get3A_9 = arith.constant 0 : index
    %get3A_10 = vector.load %arg1[%get3A_8, %get3A_9] : memref<1000x128xf32, #tpu.memory_space<vmem>>, vector<1000x128xf32>
    %get3A_11 = arith.constant 0 : index
    %get3A_12 = arith.constant 0 : index
    %get3A_13 = vector.load %arg2[%get3A_11, %get3A_12] : memref<1000x128xf32, #tpu.memory_space<vmem>>, vector<1000x128xf32>
    %add3A_14 = arith.addf %get3A_10, %get3A_13 : vector<1000x128xf32>
    %get3A_15 = arith.constant 0 : index
    %get3A_16 = arith.constant 0 : index
    %get3A_17 = vector.load %arg3[%get3A_15, %get3A_16] : memref<1000x128xf32, #tpu.memory_space<vmem>>, vector<1000x128xf32>
    %add3A_18 = arith.addf %add3A_14, %get3A_17 : vector<1000x128xf32>
    %mul3A = vector.broadcast %rsqrt3A : vector<1000x1xf32> to vector<1000x128xf32>
    %mul3A_19 = arith.mulf %add3A_18, %mul3A : vector<1000x128xf32>
    %get3A_20 = arith.constant 0 : index
    %get3A_21 = arith.constant 0 : index
    %get3A_22 = vector.load %arg6[%get3A_20, %get3A_21] : memref<1x128xf32, #tpu.memory_space<vmem>>, vector<1x128xf32>
    %add3A_23 = vector.broadcast %get3A_22 : vector<1x128xf32> to vector<1000x128xf32>
    %add3A_24 = arith.addf %mul3A_19, %add3A_23 : vector<1000x128xf32>
    %max3A = arith.constant 0.000000e+00 : f32
    %max3A_25 = vector.broadcast %max3A : f32 to vector<1000x128xf32>
    %max3A_26 = arith.maximumf %add3A_24, %max3A_25 : vector<1000x128xf32>
    %get3A_27 = arith.constant 0 : index
    %get3A_28 = arith.constant 0 : index
    %get3A_29 = vector.load %arg7[%get3A_27, %get3A_28] : memref<128x64xf32, #tpu.memory_space<vmem>>, vector<128x64xf32>
    %dot_general3A = arith.constant dense<0.000000e+00> : vector<1000x64xf32>
    %dot_general3A_30 = tpu.matmul %max3A_26, %get3A_29, %dot_general3A {dimension_numbers = #tpu.dot_dimension_numbers<[1], [0], [0], [1], [0, 0, 1, 1], [], []>, transpose_lhs_hint = false} : vector<1000x128xf32>, vector<128x64xf32>, vector<1000x64xf32> -> vector<1000x64xf32>
    %get3A_31 = arith.constant 0 : index
    %get3A_32 = arith.constant 0 : index
    %get3A_33 = vector.load %arg8[%get3A_31, %get3A_32] : memref<1x64xf32, #tpu.memory_space<vmem>>, vector<1x64xf32>
    %add3A_34 = vector.broadcast %get3A_33 : vector<1x64xf32> to vector<1000x64xf32>
    %add3A_35 = arith.addf %dot_general3A_30, %add3A_34 : vector<1000x64xf32>
    %swap3A = arith.constant 0 : index
    %swap3A_36 = arith.constant 0 : index
    %swap3A_37 = vector.load %arg9[%swap3A, %swap3A_36] : memref<1000x64xf32, #tpu.memory_space<vmem>>, vector<1000x64xf32>
    tpu.vector_store %arg9[%swap3A, %swap3A_36], %add3A_35 {strides = array<i32>} : memref<1000x64xf32, #tpu.memory_space<vmem>>, vector<1000x64xf32>,
    return
  }
  func.func @transform_0(%arg0: i32) -> (i32, i32) {
    %c0_i32 = arith.constant 0 : i32
    %c0_i32_0 = arith.constant 0 : i32
    return %arg0, %c0_i32 : i32, i32
  }
  func.func @transform_1(%arg0: i32) -> (i32, i32) {
    %c0_i32 = arith.constant 0 : i32
    %c0_i32_0 = arith.constant 0 : i32
    return %arg0, %c0_i32 : i32, i32
  }
  func.func @transform_2(%arg0: i32) -> (i32, i32) {
    %c0_i32 = arith.constant 0 : i32
    %c0_i32_0 = arith.constant 0 : i32
    return %arg0, %c0_i32 : i32, i32
  }
  func.func @transform_3(%arg0: i32) -> (i32, i32) {
    %c0_i32 = arith.constant 0 : i32
    %c0_i32_0 = arith.constant 0 : i32
    return %arg0, %c0_i32 : i32, i32
  }
  func.func @transform_4(%arg0: i32) -> (i32, i32) {
    %c0_i32 = arith.constant 0 : i32
    %c0_i32_0 = arith.constant 0 : i32
    return %arg0, %c0_i32 : i32, i32
  }
  func.func @transform_5(%arg0: i32) -> (i32, i32) {
    %c0_i32 = arith.constant 0 : i32
    %c0_i32_0 = arith.constant 0 : i32
    %c0_i32_1 = arith.constant 0 : i32
    return %c0_i32, %c0_i32_0 : i32, i32
  }
  func.func @transform_6(%arg0: i32) -> (i32, i32) {
    %c0_i32 = arith.constant 0 : i32
    %c0_i32_0 = arith.constant 0 : i32
    %c0_i32_1 = arith.constant 0 : i32
    return %c0_i32, %c0_i32_0 : i32, i32
  }
  func.func @transform_7(%arg0: i32) -> (i32, i32) {
    %c0_i32 = arith.constant 0 : i32
    %c0_i32_0 = arith.constant 0 : i32
    %c0_i32_1 = arith.constant 0 : i32
    return %c0_i32, %c0_i32_0 : i32, i32
  }
  func.func @transform_8(%arg0: i32) -> (i32, i32) {
    %c0_i32 = arith.constant 0 : i32
    %c0_i32_0 = arith.constant 0 : i32
    return %arg0, %c0_i32 : i32, i32
  }
}

</mosaic_0001>

<sc_bundles>
// kernel: kernel.11.cloned.1.call-start
scs
__scs_entry_jumppad:
0x0: {  	(pc) =	sbr.rel $0x88, $3  }
0x1: {  	(tag) =	ssettag $0x0;
	lr =	simm.s32 $0x1  }
0x2: {  	[smem:$0x3F99] =	sst lr;
	_ =	strace $0xD0000000  }
0x3: {  	_ = 	snop  }
0x4: {  	_ = 	snop  }
0x5: {  	_ = 	snop  }
0x6: {  	_ = 	snop  }
0x7: {  	_ = 	snop  }
__scs_overlays_trampoline_lowered:
0x8: {  	[smem:$0x3FA8] =	sst s0  }
0x9: {  	[smem:$0x3FA9] =	sst s1  }
0xa: {  	[smem:$0x3FAA] =	sst s2  }
0xb: {  	[smem:$0x3FAB] =	sst s3  }
0xc: {  	[smem:$0x3FAC] =	sst s4  }
0xd: {  	[smem:$0x3FAD] =	sst s5  }
0xe: {  	[smem:$0x3FAE] =	sst s6  }
0xf: {  	[smem:$0x3FAF] =	sst s7  }
0x10: {  	[smem:$0x3FB0] =	sst s8  }
0x11: {  	[smem:$0x3FB1] =	sst s9;
	s0 =	simm.s32 @!p0 $0x0  }
0x12: {  	s1 =	sld [smem:$0x3F97];
	s0 =	simm.s32 @p0 $0x1  }
0x13: {  	[smem:$0x3FB2] =	sst s0;
	s0 =	simm.s32 @!p1 $0x0  }
0x14: {  	s2 =	sld [smem:$0x3F96];
	s0 =	simm.s32 @p1 $0x1  }
0x15: {  	[smem:$0x3FB3] =	sst s0;
	s0 =	simm.s32 @!p2 $0x0  }
0x16: {  	s3 =	sld [smem:$0x3FDB];
	s0 =	simm.s32 @p2 $0x1  }
0x17: {  	s4 =	simm.s32 $0x1BF5;
	[smem:$0x3FB5] =	sst s0  }
0x18: {  	s0 =	sld [smem:$0x3F98];
	_ =	swait.ge [sflag:s4], $0x0  }
0x19: {  	s7 =	sld [smem:$0x3F99]  }
0x1a: {  	s8 =	sadd.s32 $0xFFFFE003, lr  }
0x1b: {  	s9 =	sadd.s32 $0xFFFFFEF7, lr;
	s5 =	simm.s32 $0xFFFFFFFF;
	p2 =	slt.u32 s8, $0xFFFFF086  }
0x1c: {  	p1 =	slt.u32 s9, $0xF7A;
	s5 =	simm.s32 @!p2 $0x0  }
0x1d: {  	s5 =	simm.s32 @p1 $0x1;
	p0 =	seq.s32 s7, s2  }
0x1e: {  	s7 =	smul.u32 @!p0 $0xF7A, s2;
	p2 =	seq.s32 @!p0 s5, $0x0  }
0x1f: {  	s9 =	smul.u32 $0xF7A, s1;
	s8 =	simm.s32 @!p0 $0x1BF5;
	p2 =	por !p2, p0  }
0x20: {  	[sflag:s8] =	ssyncset.s32 @!p0 $0xFFFFF086;
	s6 =	sadd.s32 @!p0 s3, s7;
	s7 =	simm.s32 @!p0 $0x108  }
0x21: {  	s3 =	sadd.s32 s3, s9;
	s6 =	sadd.s32 @!p0 $0x88, s6;
	s7 =	simm.s32 @p2 $0x1082  }
0x22: {  	[simem:s7], [sflag:s8] =	dma.local @!p0 [hbm:s6], $0xF7A  }
0x23: {  	s9 =	sor.u32 $0xD0000000, s2;
	s6 =	simm.s32 $0x108;
	_ =	swait.ge @!p0 [sflag:s8], $0x0  }
0x24: {  	s3 =	sadd.s32 $0x88, s3;
	s6 =	simm.s32 @!p1 $0x1082;
	[sflag:s4] =	ssyncset.s32 $0xFFFFF086  }
0x25: {  	[simem:s6], [sflag:s4] =	dma.local [hbm:s3], $0xF7A  }
0x26: {  	[smem:$0x3F99] =	sst s1;
	(tag) =	ssettag s2;
	_ =	strace s9  }
0x27: {  	s1 =	sld [smem:$0x3FA9]  }
0x28: {  	s2 =	sld [smem:$0x3FAA]  }
0x29: {  	s4 =	sld [smem:$0x3FAC]  }
0x2a: {  	p0 =	seq.s32 s5, $0x0;
	s5 =	sld [smem:$0x3FAD]  }
0x2b: {  	s6 =	sld [smem:$0x3FAE]  }
0x2c: {  	s7 =	sld [smem:$0x3FAF]  }
0x2d: {  	s3 =	simm.s32 $0x108;
	s8 =	sld [smem:$0x3FB0]  }
0x2e: {  	s3 =	simm.s32 @!p0 $0x1082;
	s9 =	sld [smem:$0x3FB1]  }
0x2f: {  	lr =	sadd.s32 s0, s3;
	s0 =	sld [smem:$0x3FA8]  }
0x30: {  	s3 =	sld [smem:$0x3FAB]  }
0x31: {  	[smem:$0x3FB4] =	sst s10  }
0x32: {  	s10 =	sld [smem:$0x3FB2];
	_ =	sdelay $0x3  }
0x33: {  	p0 =	seq.s32 s10, $0x1;
	s10 =	sld [smem:$0x3FB4];
	_ =	sdelay $0x3  }
0x34: {  	[smem:$0x3FB4] =	sst s10  }
0x35: {  	s10 =	sld [smem:$0x3FB3];
	_ =	sdelay $0x3  }
0x36: {  	p1 =	seq.s32 s10, $0x1;
	s10 =	sld [smem:$0x3FB4];
	_ =	sdelay $0x3  }
0x37: {  	[smem:$0x3FB4] =	sst s10  }
0x38: {  	s10 =	sld [smem:$0x3FB5]  }
0x39: {  	_ = 	snop;
	(pc) =	sbr.ind lr, $3  }
0x3a: {  	_ = 	snop  }
0x3b: {  	_ = 	snop  }
0x3c: {  	p2 =	seq.s32 s10, $0x1;
	s10 =	sld [smem:$0x3FB4]  }
0x3d: {  	_ =	shalt  }
0x3e: {  	_ =	shalt  }
0x3f: {  	_ =	shalt  }
0x40: {  	_ =	shalt  }
0x41: {  	_ =	shalt  }
0x42: {  	_ =	shalt  }
0x43: {  	_ =	shalt  }
0x44: {  	_ =	shalt  }
0x45: {  	_ =	shalt  }
0x46: {  	_ =	shalt  }
0x47: {  	_ =	shalt  }
0x48: {  	_ =	shalt  }
0x49: {  	_ =	shalt  }
0x4a: {  	_ =	shalt  }
0x4b: {  	_ =	shalt  }
0x4c: {  	_ =	shalt  }
0x4d: {  	_ =	shalt  }
0x4e: {  	_ =	shalt  }
0x4f: {  	_ =	shalt  }
0x50: {  	_ =	shalt  }
0x51: {  	_ =	shalt  }
0x52: {  	_ =	shalt  }
0x53: {  	_ =	shalt  }
0x54: {  	_ =	shalt  }
0x55: {  	_ =	shalt  }
0x56: {  	_ =	shalt  }
0x57: {  	_ =	shalt  }
0x58: {  	_ =	shalt  }
0x59: {  	_ =	shalt  }
0x5a: {  	_ =	shalt  }
0x5b: {  	_ =	shalt  }
0x5c: {  	_ =	shalt  }
0x5d: {  	_ =	shalt  }
0x5e: {  	_ =	shalt  }
0x5f: {  	_ =	shalt  }
0x60: {  	_ =	shalt  }
0x61: {  	_ =	shalt  }
0x62: {  	_ =	shalt  }
0x63: {  	_ =	shalt  }
0x64: {  	_ =	shalt  }
0x65: {  	_ =	shalt  }
0x66: {  	_ =	shalt  }
0x67: {  	_ =	shalt  }
0x68: {  	_ =	shalt  }
0x69: {  	_ =	shalt  }
0x6a: {  	_ =	shalt  }
0x6b: {  	_ =	shalt  }
0x6c: {  	_ =	shalt  }
0x6d: {  	_ =	shalt  }
0x6e: {  	_ =	shalt  }
0x6f: {  	_ =	shalt  }
0x70: {  	_ =	shalt  }
0x71: {  	_ =	shalt  }
0x72: {  	_ =	shalt  }
0x73: {  	_ =	shalt  }
0x74: {  	_ =	shalt  }
0x75: {  	_ =	shalt  }
0x76: {  	_ =	shalt  }
0x77: {  	_ =	shalt  }
0x78: {  	_ =	shalt  }
0x79: {  	_ =	shalt  }
0x7a: {  	_ =	shalt  }
0x7b: {  	_ =	shalt  }
0x7c: {  	_ =	shalt  }
0x7d: {  	_ =	shalt  }
0x7e: {  	_ =	shalt  }
0x7f: {  	_ =	shalt  }
0x80: {  	_ =	shalt  }
0x81: {  	_ =	shalt  }
0x82: {  	_ =	shalt  }
0x83: {  	_ =	shalt  }
0x84: {  	_ =	shalt  }
0x85: {  	_ =	shalt  }
0x86: {  	_ =	shalt  }
0x87: {  	_ =	shalt  }
.Lfunc_end0:
.L_simem_size_0:
called_computation.1_lowered:
.L_overlay_start_0:
0x88: {  	s2 =	sld [smem:$0x3FD9]  }
0x89: {  	s3 =	sld [smem:$0x3FFE];
	_ =	sdelay $0x1  }
0x8a: {  	s1 =	srdreg.scid  }
0x8b: {  	s0 =	sand.u32 $0x1, s1  }
0x8c: {  	s16 =	sshll.u32 s0, $0xA;
	s2 =	sadd.s32 s3, s2  }
0x8d: {  	s2 =	sadd.s32 s2, s16  }
0x8e: {  	[smem:$0x3FC0] =	sst s2  }
0x8f: {  	_ = 	snop  }
0x90: {  	(tm) =	ssettm $0x1  }
0x91: {  	s17 =	sld [smem:$0x3FFB];
	_ =	sdelay $0x3  }
0x92: {  	_ =	strace s17  }
0x93: {  	s2 =	sld [smem:$0x3FFC];
	_ =	sdelay $0x3  }
0x94: {  	_ =	strace s2  }
0x95: {  	s2 =	sld [smem:$0x3FFD];
	_ =	sdelay $0x3  }
0x96: {  	_ =	strace s2  }
0x97: {  	_ =	strace $0x8FFFFFFF  }
0x98: {  	s18 =	sld [smem:$0x3FDB];
	_ =	sdelay $0x1  }
0x99: {  	s19 =	simm.s32 $_scs_section_size  }
0x9a: {  	s4 =	simm.s32 $_size__tile_overlayer_lowered;
	s5 =	simm.s32 $_tile_overlayer_lowered  }
0x9b: {  	s22 =	simm.s32 $0x1BFF;
	s21 =	sshll.u32 s5, $0x1;
	s2 =	sadd.s32 s19, s18  }
0x9c: {  	s6 =	simm.s32 $0x0;
	s20 =	sshll.u32 s4, $0x1;
	s4 =	sadd.s32 s21, s2  }
0x9d: {  	[timem:s6], [sflag:s22] =	dma.local [hbm:s4], s20  }
0x9e: {  	_ =	swait.ge [sflag:s22], s20  }
0x9f: {  	s3 =	ssub.s32 $0x0, s20;
	[sflag:s22] =	ssyncset.done $0x0  }
0xa0: {  	[sflag:s22] =	ssyncadd.s32 s3;
	_ =	sdelay $0x1  }
0xa1: {  	s23 =	simm.s32 $0x1B8B  }
0xa2: {  	_ =	swait.ge [sflag:s23], $0x1  }
0xa3: {  	[sflag:s23] =	ssyncset.done $0x0  }
0xa4: {  	s25 =	simm.s32 $0x1B8E;
	s24 =	sld [smem:$0x3FFE];
	[sflag:s23] =	ssyncadd.s32 $0xFFFFFFFF  }
0xa5: {  	s26 =	simm.s32 $execute0_lowered;
	[smem:$0x3FD2] =	sst s25  }
0xa6: {  	s4 =	sshll.u32 s26, $0x1;
	_ =	strace $0x80000049;
	[dreg:$0x1] =	wrdreg $0xFFFFFFFF  }
0xa7: {  	s28 =	simm.s32 $_size_execute0_lowered;
	s2 =	sadd.s32 s2, s4;
	[dreg:$0x0] =	wrdreg $0x0  }
0xa8: {  	s4 =	sshll.u32 s28, $0x1;
	[dreg:$0x2] =	wrdreg s2  }
0xa9: {  	[dreg:$0x3] =	wrdreg s4  }
0xaa: {  	[dreg:$0x4] =	wrdreg $0xC0  }
0xab: {  	_ =	task [dreg:s6], $0x5FFFF  }
0xac: {  	[dreg:$0x1] =	wrdreg $0xFFFFFFFF  }
0xad: {  	[dreg:$0x0] =	wrdreg $0x60  }
0xae: {  	[dreg:$0x2] =	wrdreg s24  }
0xaf: {  	[dreg:$0x3] =	wrdreg $0xA4000  }
0xb0: {  	[dreg:$0x4] =	wrdreg $0x9  }
0xb1: {  	_ =	task.clear_ibuf [dreg:s6], $0x5FFFF;
	_ =	strace $0x90000049  }
0xb2: {  	s29 =	simm.s32 $0x9;
	_ =	strace $0x8000004B  }
0xb3: {  	_ =	swait.ge [sflag:s29], $0x1  }
0xb4: {  	[sflag:s29] =	ssyncadd.s32 $0xFFFFFFFF  }
0xb5: {  	_ =	strace $0x9000004B  }
0xb6: {  	_ =	sfence  }
0xb7: {  	s30 =	sld [smem:$0x0];
	_ =	sdelay $0x2  }
0xb8: {  	s31 =	sshll.u32 s1, $0xD;
	s1 =	sshrl.u32 s1, $0x2  }
0xb9: {  	s3 =	sand.u32 $0x4000, s31;
	s1 =	sadd.s32 s1, s30  }
0xba: {  	s0 =	sor.u32 s3, s0;
	s1 =	sshll.u32 s1, $0x11  }
0xbb: {  	s0 =	sor.u32 s1, s0  }
0xbc: {  	s0 =	sadd.s32 $0x8F2B, s0  }
0xbd: {  	[sflag:s0] =	ssyncadd.remote.s32 $0x1  }
0xbe: {  	_ =	sfence.sel $0xFFFF  }
0xbf: {  	[dreg:$0x0] =	wrdreg $0xFFFFFFFF;
	(pc) =	sbr.abs _section_cstart, $3  }
0xc0: {  	[dreg:$0x1] =	wrdreg $0xFFFFFFFF  }
0xc1: {  	_ =	task.clear_ibuf [dreg:s6], $0x2FFFF;
	_ =	strace $0x9FFFFFFF  }
0xc2: {  	(tm) =	ssettm $0x7FFFFFFF  }
0xc3: {  	_ =	shalt  }
tec
execute0_lowered:
.L_overlay_start_1:
0x0: {  	(tag) =	ssettag $0x1  }
0x1: {  	s0 =	rddreg [dreg:$0x0]  }
0x2: {  	s2 =	rddreg [dreg:$0x1]  }
0x3: {  	s3 =	simm.s32 $0x0;
	s13 =	stileid.u32;
	s1 =	srdreg.scid  }
0x4: {  	s28 =	simm.s32 $0x1;
	s29 =	simm.s32 $0x2;
	s30 =	simm.s32 $0x3  }
0x5: {  	s31 =	simm.s32 $0x4;
	[smem:$0x7FF] =	sst s3;
	s5 =	smul.u32 $0x13C00, s13  }
0x6: {  	s1 =	sand.u32 $0x1, s1;
	s4 =	sadd.s32 $0x67800, s0;
	s25 =	smul.u32 $0x4F000, s13  }
0x7: {  	s6 =	sadd.s32 $0x3A00, s0;
	s8 =	sadd.s32 $0xD800, s0;
	s12 =	smul.u32 $0x2710, s13  }
0x8: {  	_ =	strace $0x8000004A;
	s7 =	smul.u32 $0x13C000, s1;
	s10 =	sshll.u32 s1, $0x4  }
0x9: {  	s26 =	ssub.s32 $0x2, s1;
	s1 =	smul.u32 $0x27100, s1;
	s9 =	sshrl.u32 s5, $0x3  }
0xa: {  	s10 =	sor.u32 s13, s10;
	s11 =	sshrl.u32 s26, $0x1;
	s5 =	sadd.s32 s5, s7  }
0xb: {  	s9 =	sadd.s32 s9, s0;
	s10 =	smul.u32 $0x2710, s10;
	s7 =	sshrl.u32 s25, $0x2  }
0xc: {  	s1 =	sadd.s32 s12, s1;
	s5 =	sshrl.u32 s5, $0x3;
	s7 =	sadd.s32 s7, s2  }
0xd: {  	s9 =	sadd.s32 $0x8EA00, s9;
	s14 =	sadd.s32 $0xF0, s1;
	s18 =	sadd.s32 $0xA0, s1  }
0xe: {  	s22 =	sadd.s32 $0x50, s1;
	s1 =	sshrl.u32 s1, $0x3;
	[dreg:$0x9] =	wrdreg s7  }
0xf: {  	s0 =	sadd.s32 s5, s0;
	s5 =	ssub.s32 s26, s11;
	[dreg:$0xa] =	wrdreg s9  }
0x10: {  	s11 =	sshll.u32 s13, $0x6;
	s13 =	sshrl.u32 s10, $0x3;
	s16 =	sshrl.u32 s14, $0x3  }
0x11: {  	s20 =	sshrl.u32 s18, $0x3;
	s24 =	sshrl.u32 s22, $0x3;
	s12 =	sadd.s32 s1, s8  }
0x12: {  	s14 =	simm.s32 $0x5;
	s18 =	simm.s32 $0x80;
	s22 =	simm.s32 $0x300  }
0x13: {  	s7 =	sor.u32 $0x1C05, s11;
	s9 =	sadd.s32 $0x4D8, s13;
	s0 =	sadd.s32 $0xB6200, s0  }
0x14: {  	s17 =	sadd.s32 s16, s8;
	s19 =	sadd.s32 s16, s6;
	[dreg:$0xd] =	wrdreg s0  }
0x15: {  	s21 =	sadd.s32 s20, s8;
	s23 =	sadd.s32 s20, s6;
	[dreg:$0x3] =	wrdreg s17  }
0x16: {  	s11 =	smax.u32 s5, $0x1;
	s25 =	sadd.s32 s24, s8;
	[dreg:$0x4] =	wrdreg s19  }
0x17: {  	s26 =	sadd.s32 s24, s6;
	s13 =	sadd.s32 s1, s6;
	[dreg:$0x5] =	wrdreg s21  }
0x18: {  	s16 =	simm.s32 $0x50;
	s20 =	simm.s32 $0x2C00;
	[dreg:$0x6] =	wrdreg s23  }
0x19: {  	s24 =	simm.s32 $0x180;
	s15 =	sadd.s32 s6, s9;
	[dreg:$0x7] =	wrdreg s25  }
0x1a: {  	s9 =	sadd.s32 s8, s9;
	[dreg:$0x8] =	wrdreg s26;
	s17 =	simm.s32 $0x400  }
0x1b: {  	s19 =	simm.s32 $0x280;
	s21 =	simm.s32 $0x100;
	s23 =	simm.s32 $0x5400  }
0x1c: {  	s25 =	simm.s32 $0x380;
	s26 =	simm.s32 $0x7C00;
	[dreg:$0xb] =	wrdreg s15  }
0x1d: {  	s0 =	simm.s32 $0x0;
	[dreg:$0xc] =	wrdreg s9;
	s15 =	simm.s32 $0x200  }
.LBB2_1:
0x1e: {  	s1 =	rddreg [dreg:$0x9]  }
0x1f: {  	s5 =	rddreg [dreg:$0xa];
	s1 =	sshrl.u32 s1, $0x3  }
0x20: {  	[spmem:s1], [sflag:s7] =	dma.local [hbm:s5], $0x2780  }
0x21: {  	_ =	swait.ge [sflag:s14], $0x2780  }
0x22: {  	[sflag:s14] =	ssyncset.done $0x0  }
0x23: {  	[sflag:s14] =	ssyncadd.s32 $0xFFFFD880  }
0x24: {  	s6 =	sadd.s32 $0x0, s13;
	[bflag:$0x0] =	sbarrier.arrive $0xFFFF  }
0x25: {  	[tilespmem:s3], [sflag:$0x5] =	stream.linear.gather [hbm4b:s6+s3], $0x50, $0x38;
	[tilespmem:$0x1E000] =	vst v63  }
0x26: {  	_ =	swait.ge [sflag:s14], $0x50  }
0x27: {  	[sflag:s14] =	ssyncset.done $0x0  }
0x28: {  	s8 =	sadd.s32 $0x0, s12;
	[sflag:s14] =	ssyncadd.s32 $0xFFFFFFB0  }
0x29: {  	[tilespmem:s15], [sflag:$0x5] =	stream.linear.gather [hbm4b:s8+s3], $0x50, $0x38;
	[tilespmem:$0x1E000] =	vst v63  }
0x2a: {  	_ =	swait.ge [sflag:s14], $0x50  }
0x2b: {  	[sflag:s14] =	ssyncset.done $0x0  }
0x2c: {  	s9 =	rddreg [dreg:$0x8];
	[sflag:s14] =	ssyncadd.s32 $0xFFFFFFB0  }
0x2d: {  	[tilespmem:s17], [sflag:$0x1] =	stream.indirect.gather [hbm4b:s4+s16], $0x80, s3, s16, $0xb8;
	[tilespmem:$0x1E000] =	vst v63  }
0x2e: {  	s5 =	sadd.s32 $0x0, s9  }
0x2f: {  	[tilespmem:s18], [sflag:$0x5] =	stream.linear.gather [hbm4b:s5+s3], $0x50, $0x38;
	[tilespmem:$0x1E000] =	vst v63  }
0x30: {  	_ =	swait.ge [sflag:s14], $0x50  }
0x31: {  	s10 =	rddreg [dreg:$0x7];
	[sflag:s14] =	ssyncset.done $0x0  }
0x32: {  	[sflag:s14] =	ssyncadd.s32 $0xFFFFFFB0;
	s5 =	sadd.s32 $0x0, s10  }
0x33: {  	[tilespmem:s19], [sflag:$0x5] =	stream.linear.gather [hbm4b:s5+s3], $0x50, $0x38;
	[tilespmem:$0x1E000] =	vst v63  }
0x34: {  	_ =	swait.ge [sflag:s14], $0x50  }
0x35: {  	[sflag:s14] =	ssyncset.done $0x0  }
0x36: {  	s6 =	rddreg [dreg:$0x6];
	[sflag:s14] =	ssyncadd.s32 $0xFFFFFFB0  }
0x37: {  	[tilespmem:s20], [sflag:$0x2] =	stream.indirect.gather [hbm4b:s4+s16], $0x80, s18, s16, $0xb8;
	[tilespmem:$0x1E000] =	vst v63  }
0x38: {  	s5 =	sadd.s32 $0x0, s6  }
0x39: {  	[tilespmem:s21], [sflag:$0x5] =	stream.linear.gather [hbm4b:s5+s3], $0x50, $0x38;
	[tilespmem:$0x1E000] =	vst v63  }
0x3a: {  	_ =	swait.ge [sflag:s14], $0x50  }
0x3b: {  	s8 =	rddreg [dreg:$0x5];
	[sflag:s14] =	ssyncset.done $0x0  }
0x3c: {  	[sflag:s14] =	ssyncadd.s32 $0xFFFFFFB0;
	s5 =	sadd.s32 $0x0, s8  }
0x3d: {  	[tilespmem:s22], [sflag:$0x5] =	stream.linear.gather [hbm4b:s5+s3], $0x50, $0x38;
	[tilespmem:$0x1E000] =	vst v63  }
0x3e: {  	_ =	swait.ge [sflag:s14], $0x50  }
0x3f: {  	[sflag:s14] =	ssyncset.done $0x0  }
0x40: {  	s9 =	rddreg [dreg:$0x4];
	[sflag:s14] =	ssyncadd.s32 $0xFFFFFFB0  }
0x41: {  	[tilespmem:s23], [sflag:$0x3] =	stream.indirect.gather [hbm4b:s4+s16], $0x80, s21, s16, $0xb8;
	[tilespmem:$0x1E000] =	vst v63  }
0x42: {  	s5 =	sadd.s32 $0x0, s9  }
0x43: {  	[tilespmem:s24], [sflag:$0x5] =	stream.linear.gather [hbm4b:s5+s3], $0x50, $0x38;
	[tilespmem:$0x1E000] =	vst v63  }
0x44: {  	_ =	swait.ge [sflag:s14], $0x50  }
0x45: {  	s10 =	rddreg [dreg:$0x3];
	[sflag:s14] =	ssyncset.done $0x0  }
0x46: {  	[sflag:s14] =	ssyncadd.s32 $0xFFFFFFB0;
	s5 =	sadd.s32 $0x0, s10  }
0x47: {  	[tilespmem:s25], [sflag:$0x5] =	stream.linear.gather [hbm4b:s5+s3], $0x50, $0x38;
	[tilespmem:$0x1E000] =	vst v63  }
0x48: {  	_ =	swait.ge [sflag:s14], $0x50  }
0x49: {  	[sflag:s14] =	ssyncset.done $0x0  }
0x4a: {  	[sflag:s14] =	ssyncadd.s32 $0xFFFFFFB0  }
0x4b: {  	[tilespmem:s26], [sflag:$0x4] =	stream.indirect.gather [hbm4b:s4+s16], $0x80, s24, s16, $0xb8;
	[tilespmem:$0x1E000] =	vst v63  }
0x4c: {  	_ =	swait.ge [sflag:s28], $0x2800  }
0x4d: {  	[sflag:s28] =	ssyncset.done $0x0  }
0x4e: {  	[sflag:s28] =	ssyncadd.s32 $0xFFFFD800  }
0x4f: {  	[spmem:s2] =	stream.indirect.scatter.add.f32 [tilespmem:s17], [sflag:$0x5], $0x80, s15, s16, $0xb8;
	[tilespmem:$0x1E000] =	vst v63  }
0x50: {  	_ =	swait.ge [sflag:s14], $0x2800  }
0x51: {  	[sflag:s14] =	ssyncset.done $0x0  }
0x52: {  	[sflag:s14] =	ssyncadd.s32 $0xFFFFD800  }
0x53: {  	_ =	swait.ge [sflag:s29], $0x2800  }
0x54: {  	[sflag:s29] =	ssyncset.done $0x0  }
0x55: {  	[sflag:s29] =	ssyncadd.s32 $0xFFFFD800  }
0x56: {  	[spmem:s2] =	stream.indirect.scatter.add.f32 [tilespmem:s20], [sflag:$0x5], $0x80, s19, s16, $0xb8;
	[tilespmem:$0x1E000] =	vst v63  }
0x57: {  	_ =	swait.ge [sflag:s14], $0x2800  }
0x58: {  	[sflag:s14] =	ssyncset.done $0x0  }
0x59: {  	[sflag:s14] =	ssyncadd.s32 $0xFFFFD800  }
0x5a: {  	_ =	swait.ge [sflag:s30], $0x2800  }
0x5b: {  	[sflag:s30] =	ssyncset.done $0x0  }
0x5c: {  	[sflag:s30] =	ssyncadd.s32 $0xFFFFD800  }
0x5d: {  	[spmem:s2] =	stream.indirect.scatter.add.f32 [tilespmem:s23], [sflag:$0x5], $0x80, s22, s16, $0xb8;
	[tilespmem:$0x1E000] =	vst v63  }
0x5e: {  	_ =	swait.ge [sflag:s14], $0x2800  }
0x5f: {  	[sflag:s14] =	ssyncset.done $0x0  }
0x60: {  	[sflag:s14] =	ssyncadd.s32 $0xFFFFD800  }
0x61: {  	_ =	swait.ge [sflag:s31], $0x2800  }
0x62: {  	[sflag:s31] =	ssyncset.done $0x0  }
0x63: {  	[sflag:s31] =	ssyncadd.s32 $0xFFFFD800  }
0x64: {  	[spmem:s2] =	stream.indirect.scatter.add.f32 [tilespmem:s26], [sflag:$0x5], $0x80, s25, s16, $0xb8;
	[tilespmem:$0x1E000] =	vst v63  }
0x65: {  	_ =	swait.ge [sflag:s14], $0x2800  }
0x66: {  	s6 =	simm.s32 $0x50;
	s5 =	simm.s32 $0x28;
	[sflag:s14] =	ssyncset.done $0x0  }
.LBB2_2:
0x67: {  	s10 =	sadd.s32 s5, s13;
	[sflag:s14] =	ssyncadd.s32 $0xFFFFD800  }
0x68: {  	[tilespmem:s3], [sflag:$0x5] =	stream.linear.gather [hbm4b:s10+s3], $0x50, $0x38;
	[tilespmem:$0x1E000] =	vst v63  }
0x69: {  	_ =	swait.ge [sflag:s14], $0x50  }
0x6a: {  	[sflag:s14] =	ssyncset.done $0x0  }
0x6b: {  	s10 =	sadd.s32 s5, s12;
	[sflag:s14] =	ssyncadd.s32 $0xFFFFFFB0  }
0x6c: {  	[tilespmem:s15], [sflag:$0x5] =	stream.linear.gather [hbm4b:s10+s3], $0x50, $0x38;
	[tilespmem:$0x1E000] =	vst v63  }
0x6d: {  	_ =	swait.ge [sflag:s14], $0x50  }
0x6e: {  	[sflag:s14] =	ssyncset.done $0x0  }
0x6f: {  	s8 =	smov.u32 s6;
	s10 =	rddreg [dreg:$0x8];
	[sflag:s14] =	ssyncadd.s32 $0xFFFFFFB0  }
0x70: {  	[tilespmem:s17], [sflag:$0x1] =	stream.indirect.gather [hbm4b:s4+s16], $0x80, s3, s16, $0xb8;
	[tilespmem:$0x1E000] =	vst v63  }
0x71: {  	s9 =	sadd.s32 $0x28, s6;
	p0 =	sne.s32 s6, $0x4B0;
	s6 =	sadd.s32 s5, s10  }
0x72: {  	[tilespmem:s18], [sflag:$0x5] =	stream.linear.gather [hbm4b:s6+s3], $0x50, $0x38;
	[tilespmem:$0x1E000] =	vst v63  }
0x73: {  	_ =	swait.ge [sflag:s14], $0x50  }
0x74: {  	s10 =	rddreg [dreg:$0x7];
	[sflag:s14] =	ssyncset.done $0x0  }
0x75: {  	[sflag:s14] =	ssyncadd.s32 $0xFFFFFFB0;
	s6 =	sadd.s32 s5, s10  }
0x76: {  	[tilespmem:s19], [sflag:$0x5] =	stream.linear.gather [hbm4b:s6+s3], $0x50, $0x38;
	[tilespmem:$0x1E000] =	vst v63  }
0x77: {  	_ =	swait.ge [sflag:s14], $0x50  }
0x78: {  	[sflag:s14] =	ssyncset.done $0x0  }
0x79: {  	s10 =	rddreg [dreg:$0x6];
	[sflag:s14] =	ssyncadd.s32 $0xFFFFFFB0  }
0x7a: {  	[tilespmem:s20], [sflag:$0x2] =	stream.indirect.gather [hbm4b:s4+s16], $0x80, s18, s16, $0xb8;
	[tilespmem:$0x1E000] =	vst v63  }
0x7b: {  	s6 =	sadd.s32 s5, s10  }
0x7c: {  	[tilespmem:s21], [sflag:$0x5] =	stream.linear.gather [hbm4b:s6+s3], $0x50, $0x38;
	[tilespmem:$0x1E000] =	vst v63  }
0x7d: {  	_ =	swait.ge [sflag:s14], $0x50  }
0x7e: {  	s10 =	rddreg [dreg:$0x5];
	[sflag:s14] =	ssyncset.done $0x0  }
0x7f: {  	[sflag:s14] =	ssyncadd.s32 $0xFFFFFFB0;
	s6 =	sadd.s32 s5, s10  }
0x80: {  	[tilespmem:s22], [sflag:$0x5] =	stream.linear.gather [hbm4b:s6+s3], $0x50, $0x38;
	[tilespmem:$0x1E000] =	vst v63  }
0x81: {  	_ =	swait.ge [sflag:s14], $0x50  }
0x82: {  	[sflag:s14] =	ssyncset.done $0x0  }
0x83: {  	s10 =	rddreg [dreg:$0x4];
	[sflag:s14] =	ssyncadd.s32 $0xFFFFFFB0  }
0x84: {  	[tilespmem:s23], [sflag:$0x3] =	stream.indirect.gather [hbm4b:s4+s16], $0x80, s21, s16, $0xb8;
	[tilespmem:$0x1E000] =	vst v63  }
0x85: {  	s6 =	sadd.s32 s5, s10  }
0x86: {  	[tilespmem:s24], [sflag:$0x5] =	stream.linear.gather [hbm4b:s6+s3], $0x50, $0x38;
	[tilespmem:$0x1E000] =	vst v63  }
0x87: {  	_ =	swait.ge [sflag:s14], $0x50  }
0x88: {  	s10 =	rddreg [dreg:$0x3];
	[sflag:s14] =	ssyncset.done $0x0  }
0x89: {  	[sflag:s14] =	ssyncadd.s32 $0xFFFFFFB0;
	s6 =	sadd.s32 s5, s10  }
0x8a: {  	[tilespmem:s25], [sflag:$0x5] =	stream.linear.gather [hbm4b:s6+s3], $0x50, $0x38;
	[tilespmem:$0x1E000] =	vst v63  }
0x8b: {  	_ =	swait.ge [sflag:s14], $0x50  }
0x8c: {  	[sflag:s14] =	ssyncset.done $0x0  }
0x8d: {  	[sflag:s14] =	ssyncadd.s32 $0xFFFFFFB0  }
0x8e: {  	[tilespmem:s26], [sflag:$0x4] =	stream.indirect.gather [hbm4b:s4+s16], $0x80, s24, s16, $0xb8;
	[tilespmem:$0x1E000] =	vst v63  }
0x8f: {  	_ =	swait.ge [sflag:s28], $0x2800  }
0x90: {  	[sflag:s28] =	ssyncset.done $0x0  }
0x91: {  	[sflag:s28] =	ssyncadd.s32 $0xFFFFD800  }
0x92: {  	[spmem:s2] =	stream.indirect.scatter.add.f32 [tilespmem:s17], [sflag:$0x5], $0x80, s15, s16, $0xb8;
	[tilespmem:$0x1E000] =	vst v63  }
0x93: {  	_ =	swait.ge [sflag:s14], $0x2800  }
0x94: {  	[sflag:s14] =	ssyncset.done $0x0  }
0x95: {  	[sflag:s14] =	ssyncadd.s32 $0xFFFFD800  }
0x96: {  	_ =	swait.ge [sflag:s29], $0x2800  }
0x97: {  	[sflag:s29] =	ssyncset.done $0x0  }
0x98: {  	[sflag:s29] =	ssyncadd.s32 $0xFFFFD800  }
0x99: {  	[spmem:s2] =	stream.indirect.scatter.add.f32 [tilespmem:s20], [sflag:$0x5], $0x80, s19, s16, $0xb8;
	[tilespmem:$0x1E000] =	vst v63  }
0x9a: {  	_ =	swait.ge [sflag:s14], $0x2800  }
0x9b: {  	[sflag:s14] =	ssyncset.done $0x0  }
0x9c: {  	[sflag:s14] =	ssyncadd.s32 $0xFFFFD800  }
0x9d: {  	_ =	swait.ge [sflag:s30], $0x2800  }
0x9e: {  	[sflag:s30] =	ssyncset.done $0x0  }
0x9f: {  	[sflag:s30] =	ssyncadd.s32 $0xFFFFD800  }
0xa0: {  	[spmem:s2] =	stream.indirect.scatter.add.f32 [tilespmem:s23], [sflag:$0x5], $0x80, s22, s16, $0xb8;
	[tilespmem:$0x1E000] =	vst v63  }
0xa1: {  	_ =	swait.ge [sflag:s14], $0x2800  }
0xa2: {  	[sflag:s14] =	ssyncset.done $0x0  }
0xa3: {  	[sflag:s14] =	ssyncadd.s32 $0xFFFFD800  }
0xa4: {  	_ =	swait.ge [sflag:s31], $0x2800  }
.Ltmp0:
0xa5: {  	[sflag:s31] =	ssyncset.done $0x0;
	(pc) =	sbr.rel @p0 .LBB2_2-.Ltmp0, $4  }
0xa6: {  	[sflag:s31] =	ssyncadd.s32 $0xFFFFD800  }
0xa7: {  	[spmem:s2] =	stream.indirect.scatter.add.f32 [tilespmem:s26], [sflag:$0x5], $0x80, s25, s16, $0xb8;
	[tilespmem:$0x1E000] =	vst v63  }
0xa8: {  	_ =	swait.ge [sflag:s14], $0x2800  }
0xa9: {  	s5 =	smov.u32 s8;
	s6 =	smov.u32 s9;
	[sflag:s14] =	ssyncset.done $0x0  }
0xaa: {  	s6 =	sadd.s32 s5, s13;
	[sflag:s14] =	ssyncadd.s32 $0xFFFFD800  }
0xab: {  	[tilespmem:s3], [sflag:$0x5] =	stream.linear.gather [hbm4b:s6+s3], $0x50, $0x38;
	[tilespmem:$0x1E000] =	vst v63  }
0xac: {  	_ =	swait.ge [sflag:s14], $0x50  }
0xad: {  	[sflag:s14] =	ssyncset.done $0x0  }
0xae: {  	s10 =	sadd.s32 s5, s12;
	[sflag:s14] =	ssyncadd.s32 $0xFFFFFFB0  }
0xaf: {  	[tilespmem:s15], [sflag:$0x5] =	stream.linear.gather [hbm4b:s10+s3], $0x50, $0x38;
	[tilespmem:$0x1E000] =	vst v63  }
0xb0: {  	_ =	swait.ge [sflag:s14], $0x50  }
0xb1: {  	[sflag:s14] =	ssyncset.done $0x0  }
0xb2: {  	s8 =	rddreg [dreg:$0x8];
	[sflag:s14] =	ssyncadd.s32 $0xFFFFFFB0  }
0xb3: {  	[tilespmem:s17], [sflag:$0x1] =	stream.indirect.gather [hbm4b:s4+s16], $0x80, s3, s16, $0xb8;
	[tilespmem:$0x1E000] =	vst v63  }
0xb4: {  	s6 =	sadd.s32 s5, s8  }
0xb5: {  	[tilespmem:s18], [sflag:$0x5] =	stream.linear.gather [hbm4b:s6+s3], $0x50, $0x38;
	[tilespmem:$0x1E000] =	vst v63  }
0xb6: {  	_ =	swait.ge [sflag:s14], $0x50  }
0xb7: {  	s9 =	rddreg [dreg:$0x7];
	[sflag:s14] =	ssyncset.done $0x0  }
0xb8: {  	[sflag:s14] =	ssyncadd.s32 $0xFFFFFFB0;
	s6 =	sadd.s32 s5, s9  }
0xb9: {  	[tilespmem:s19], [sflag:$0x5] =	stream.linear.gather [hbm4b:s6+s3], $0x50, $0x38;
	[tilespmem:$0x1E000] =	vst v63  }
0xba: {  	_ =	swait.ge [sflag:s14], $0x50  }
0xbb: {  	[sflag:s14] =	ssyncset.done $0x0  }
0xbc: {  	s10 =	rddreg [dreg:$0x6];
	[sflag:s14] =	ssyncadd.s32 $0xFFFFFFB0  }
0xbd: {  	[tilespmem:s20], [sflag:$0x2] =	stream.indirect.gather [hbm4b:s4+s16], $0x80, s18, s16, $0xb8;
	[tilespmem:$0x1E000] =	vst v63  }
0xbe: {  	s6 =	sadd.s32 s5, s10  }
0xbf: {  	[tilespmem:s21], [sflag:$0x5] =	stream.linear.gather [hbm4b:s6+s3], $0x50, $0x38;
	[tilespmem:$0x1E000] =	vst v63  }
0xc0: {  	_ =	swait.ge [sflag:s14], $0x50  }
0xc1: {  	s8 =	rddreg [dreg:$0x5];
	[sflag:s14] =	ssyncset.done $0x0  }
0xc2: {  	[sflag:s14] =	ssyncadd.s32 $0xFFFFFFB0;
	s6 =	sadd.s32 s5, s8  }
0xc3: {  	[tilespmem:s22], [sflag:$0x5] =	stream.linear.gather [hbm4b:s6+s3], $0x50, $0x38;
	[tilespmem:$0x1E000] =	vst v63  }
0xc4: {  	_ =	swait.ge [sflag:s14], $0x50  }
0xc5: {  	[sflag:s14] =	ssyncset.done $0x0  }
0xc6: {  	s9 =	rddreg [dreg:$0x4];
	[sflag:s14] =	ssyncadd.s32 $0xFFFFFFB0  }
0xc7: {  	[tilespmem:s23], [sflag:$0x3] =	stream.indirect.gather [hbm4b:s4+s16], $0x80, s21, s16, $0xb8;
	[tilespmem:$0x1E000] =	vst v63  }
0xc8: {  	s6 =	sadd.s32 s5, s9  }
0xc9: {  	[tilespmem:s24], [sflag:$0x5] =	stream.linear.gather [hbm4b:s6+s3], $0x50, $0x38;
	[tilespmem:$0x1E000] =	vst v63  }
0xca: {  	_ =	swait.ge [sflag:s14], $0x50  }
0xcb: {  	s10 =	rddreg [dreg:$0x3];
	[sflag:s14] =	ssyncset.done $0x0  }
0xcc: {  	s6 =	sadd.s32 s5, s10;
	[sflag:s14] =	ssyncadd.s32 $0xFFFFFFB0  }
0xcd: {  	[tilespmem:s25], [sflag:$0x5] =	stream.linear.gather [hbm4b:s6+s3], $0x50, $0x38;
	[tilespmem:$0x1E000] =	vst v63  }
0xce: {  	_ =	swait.ge [sflag:s14], $0x50  }
0xcf: {  	[sflag:s14] =	ssyncset.done $0x0  }
0xd0: {  	[sflag:s14] =	ssyncadd.s32 $0xFFFFFFB0  }
0xd1: {  	[tilespmem:s26], [sflag:$0x4] =	stream.indirect.gather [hbm4b:s4+s16], $0x80, s24, s16, $0xb8;
	[tilespmem:$0x1E000] =	vst v63  }
0xd2: {  	_ =	swait.ge [sflag:s28], $0x2800  }
0xd3: {  	[sflag:s28] =	ssyncset.done $0x0  }
0xd4: {  	[sflag:s28] =	ssyncadd.s32 $0xFFFFD800  }
0xd5: {  	[spmem:s2] =	stream.indirect.scatter.add.f32 [tilespmem:s17], [sflag:$0x5], $0x80, s15, s16, $0xb8;
	[tilespmem:$0x1E000] =	vst v63  }
0xd6: {  	_ =	swait.ge [sflag:s14], $0x2800  }
0xd7: {  	[sflag:s14] =	ssyncset.done $0x0  }
0xd8: {  	[sflag:s14] =	ssyncadd.s32 $0xFFFFD800  }
0xd9: {  	_ =	swait.ge [sflag:s29], $0x2800  }
0xda: {  	[sflag:s29] =	ssyncset.done $0x0  }
0xdb: {  	[sflag:s29] =	ssyncadd.s32 $0xFFFFD800  }
0xdc: {  	[spmem:s2] =	stream.indirect.scatter.add.f32 [tilespmem:s20], [sflag:$0x5], $0x80, s19, s16, $0xb8;
	[tilespmem:$0x1E000] =	vst v63  }
0xdd: {  	_ =	swait.ge [sflag:s14], $0x2800  }
0xde: {  	[sflag:s14] =	ssyncset.done $0x0  }
0xdf: {  	[sflag:s14] =	ssyncadd.s32 $0xFFFFD800  }
0xe0: {  	_ =	swait.ge [sflag:s30], $0x2800  }
0xe1: {  	[sflag:s30] =	ssyncset.done $0x0  }
0xe2: {  	[sflag:s30] =	ssyncadd.s32 $0xFFFFD800  }
0xe3: {  	[spmem:s2] =	stream.indirect.scatter.add.f32 [tilespmem:s23], [sflag:$0x5], $0x80, s22, s16, $0xb8;
	[tilespmem:$0x1E000] =	vst v63  }
0xe4: {  	_ =	swait.ge [sflag:s14], $0x2800  }
0xe5: {  	[sflag:s14] =	ssyncset.done $0x0  }
0xe6: {  	[sflag:s14] =	ssyncadd.s32 $0xFFFFD800  }
0xe7: {  	_ =	swait.ge [sflag:s31], $0x2800  }
0xe8: {  	[sflag:s31] =	ssyncset.done $0x0  }
0xe9: {  	[sflag:s31] =	ssyncadd.s32 $0xFFFFD800  }
0xea: {  	[spmem:s2] =	stream.indirect.scatter.add.f32 [tilespmem:s26], [sflag:$0x5], $0x80, s25, s16, $0xb8;
	[tilespmem:$0x1E000] =	vst v63  }
0xeb: {  	_ =	swait.ge [sflag:s14], $0x2800  }
0xec: {  	[sflag:s14] =	ssyncset.done $0x0  }
0xed: {  	s8 =	rddreg [dreg:$0xb];
	[sflag:s14] =	ssyncadd.s32 $0xFFFFD800  }
0xee: {  	[tilespmem:s3], [sflag:$0x5] =	stream.linear.gather [hbm4b:s8+s3], $0x50, $0x38;
	[tilespmem:$0x1E000] =	vst v63  }
0xef: {  	_ =	swait.ge [sflag:s14], $0x50  }
0xf0: {  	[sflag:s14] =	ssyncset.done $0x0  }
0xf1: {  	s9 =	rddreg [dreg:$0xc];
	[sflag:s14] =	ssyncadd.s32 $0xFFFFFFB0  }
0xf2: {  	[tilespmem:s15], [sflag:$0x5] =	stream.linear.gather [hbm4b:s9+s3], $0x50, $0x38;
	[tilespmem:$0x1E000] =	vst v63  }
0xf3: {  	_ =	swait.ge [sflag:s14], $0x50  }
0xf4: {  	[sflag:s14] =	ssyncset.done $0x0  }
0xf5: {  	[sflag:s14] =	ssyncadd.s32 $0xFFFFFFB0  }
0xf6: {  	[tilespmem:s17], [sflag:$0x1] =	stream.indirect.gather [hbm4b:s4+s16], $0x80, s3, s16, $0xb8;
	[tilespmem:$0x1E000] =	vst v63  }
0xf7: {  	_ =	swait.ge [sflag:s28], $0x2800  }
0xf8: {  	[sflag:s28] =	ssyncset.done $0x0  }
0xf9: {  	[sflag:s28] =	ssyncadd.s32 $0xFFFFD800  }
0xfa: {  	[spmem:s2] =	stream.indirect.scatter.add.f32 [tilespmem:s17], [sflag:$0x5], $0x80, s15, s16, $0xb8;
	[tilespmem:$0x1E000] =	vst v63  }
0xfb: {  	_ =	swait.ge [sflag:s14], $0x2800  }
0xfc: {  	[sflag:s14] =	ssyncset.done $0x0  }
0xfd: {  	s0 =	sadd.s32 $0x1, s0;
	[sflag:s14] =	ssyncadd.s32 $0xFFFFD800  }
0xfe: {  	p0 =	sne.s32 s0, s11;
	[bflag:$0x0] =	sbarrier.arrive $0xFFFF  }
.Ltmp1:
0xff: {  	s10 =	rddreg [dreg:$0xd];
	(pc) =	sbr.rel @p0 .LBB2_1-.Ltmp1, $4  }
0x100: {  	[hbm:s10], [sflag:s7] =	dma.local [spmem:s1], $0x2780  }
0x101: {  	_ =	swait.ge [sflag:s14], $0x2780  }
0x102: {  	[sflag:s14] =	ssyncset.done $0x0  }
0x103: {  	[sflag:s14] =	ssyncadd.s32 $0xFFFFD880  }
0x104: {  	_ =	sfence.sel $0x180000  }
0x105: {  	[bflag:$0x0] =	sbarrier.arrive $0xFFFF  }
0x106: {  	_ =	strace $0x9000004A  }
0x107: {  	s0 =	stileid.u32;
	[bflag:$0x2] =	sbarrier.arrive $0xFFFF  }
0x108: {  	p0 =	sne.s32 s0, $0x0;
	s0 =	rddreg [dreg:$0x2]  }
0x109: {  	s0 =	sadd.s32 @!p0 $0x100000, s0  }
0x10a: {  	[sflag:s0] =	ssyncadd.tile.s32 @!p0 $0x1;
	_ =	shalt  }
.Lfunc_end2:
_tile_overlayer_lowered:
.L_overlay_start_2:
0x10b: {  	(tag) =	ssettag $0x2  }
0x10c: {  	s0 =	rddreg [dreg:$0x0];
	s2 =	stileid.u32  }
0x10d: {  	s1 =	rddreg [dreg:$0x1];
	p0 =	sne.s32 s2, $0x0  }
0x10e: {  	s3 =	rddreg [dreg:$0x2];
	[bflag:$0x3] =	sbarrier.arrive $0xFFFF;
	s2 =	simm.s32 @!p0 $0x1C05  }
0x10f: {  	[timem:s3], [sflag:s2] =	dma.local @!p0 [hbm:s0], s1  }
0x110: {  	s0 =	simm.s32 @!p0 $0x5  }
0x111: {  	_ =	swait.ge @!p0 [sflag:s0], s1  }
0x112: {  	s1 =	ssub.s32 @!p0 $0x0, s1;
	[sflag:s0] =	ssyncset.done @!p0 $0x0  }
0x113: {  	[sflag:s0] =	ssyncadd.s32 @!p0 s1  }
0x114: {  	[bflag:$0x3] =	sbarrier.arrive $0xFFFF  }
0x115: {  	_ =	shalt  }

// kernel: kernel.14.cloned.1.call-start
scs
__scs_entry_jumppad:
0x0: {  	(pc) =	sbr.rel $0x88, $3  }
0x1: {  	(tag) =	ssettag $0x0;
	lr =	simm.s32 $0x1  }
0x2: {  	[smem:$0x3F99] =	sst lr;
	_ =	strace $0xD0000000  }
0x3: {  	_ = 	snop  }
0x4: {  	_ = 	snop  }
0x5: {  	_ = 	snop  }
0x6: {  	_ = 	snop  }
0x7: {  	_ = 	snop  }
__scs_overlays_trampoline_lowered:
0x8: {  	[smem:$0x3FA8] =	sst s0  }
0x9: {  	[smem:$0x3FA9] =	sst s1  }
0xa: {  	[smem:$0x3FAA] =	sst s2  }
0xb: {  	[smem:$0x3FAB] =	sst s3  }
0xc: {  	[smem:$0x3FAC] =	sst s4  }
0xd: {  	[smem:$0x3FAD] =	sst s5  }
0xe: {  	[smem:$0x3FAE] =	sst s6  }
0xf: {  	[smem:$0x3FAF] =	sst s7  }
0x10: {  	[smem:$0x3FB0] =	sst s8  }
0x11: {  	[smem:$0x3FB1] =	sst s9;
	s0 =	simm.s32 @!p0 $0x0  }
0x12: {  	s1 =	sld [smem:$0x3F97];
	s0 =	simm.s32 @p0 $0x1  }
0x13: {  	[smem:$0x3FB2] =	sst s0;
	s0 =	simm.s32 @!p1 $0x0  }
0x14: {  	s2 =	sld [smem:$0x3F96];
	s0 =	simm.s32 @p1 $0x1  }
0x15: {  	[smem:$0x3FB3] =	sst s0;
	s0 =	simm.s32 @!p2 $0x0  }
0x16: {  	s3 =	sld [smem:$0x3FDB];
	s0 =	simm.s32 @p2 $0x1  }
0x17: {  	s4 =	simm.s32 $0x1BF5;
	[smem:$0x3FB5] =	sst s0  }
0x18: {  	s0 =	sld [smem:$0x3F98];
	_ =	swait.ge [sflag:s4], $0x0  }
0x19: {  	s7 =	sld [smem:$0x3F99]  }
0x1a: {  	s8 =	sadd.s32 $0xFFFFE003, lr  }
0x1b: {  	s9 =	sadd.s32 $0xFFFFFEF7, lr;
	s5 =	simm.s32 $0xFFFFFFFF;
	p2 =	slt.u32 s8, $0xFFFFF086  }
0x1c: {  	p1 =	slt.u32 s9, $0xF7A;
	s5 =	simm.s32 @!p2 $0x0  }
0x1d: {  	s5 =	simm.s32 @p1 $0x1;
	p0 =	seq.s32 s7, s2  }
0x1e: {  	s7 =	smul.u32 @!p0 $0xF7A, s2;
	p2 =	seq.s32 @!p0 s5, $0x0  }
0x1f: {  	s9 =	smul.u32 $0xF7A, s1;
	s8 =	simm.s32 @!p0 $0x1BF5;
	p2 =	por !p2, p0  }
0x20: {  	[sflag:s8] =	ssyncset.s32 @!p0 $0xFFFFF086;
	s6 =	sadd.s32 @!p0 s3, s7;
	s7 =	simm.s32 @!p0 $0x108  }
0x21: {  	s3 =	sadd.s32 s3, s9;
	s6 =	sadd.s32 @!p0 $0x88, s6;
	s7 =	simm.s32 @p2 $0x1082  }
0x22: {  	[simem:s7], [sflag:s8] =	dma.local @!p0 [hbm:s6], $0xF7A  }
0x23: {  	s9 =	sor.u32 $0xD0000000, s2;
	s6 =	simm.s32 $0x108;
	_ =	swait.ge @!p0 [sflag:s8], $0x0  }
0x24: {  	s3 =	sadd.s32 $0x88, s3;
	s6 =	simm.s32 @!p1 $0x1082;
	[sflag:s4] =	ssyncset.s32 $0xFFFFF086  }
0x25: {  	[simem:s6], [sflag:s4] =	dma.local [hbm:s3], $0xF7A  }
0x26: {  	[smem:$0x3F99] =	sst s1;
	(tag) =	ssettag s2;
	_ =	strace s9  }
0x27: {  	s1 =	sld [smem:$0x3FA9]  }
0x28: {  	s2 =	sld [smem:$0x3FAA]  }
0x29: {  	s4 =	sld [smem:$0x3FAC]  }
0x2a: {  	p0 =	seq.s32 s5, $0x0;
	s5 =	sld [smem:$0x3FAD]  }
0x2b: {  	s6 =	sld [smem:$0x3FAE]  }
0x2c: {  	s7 =	sld [smem:$0x3FAF]  }
0x2d: {  	s3 =	simm.s32 $0x108;
	s8 =	sld [smem:$0x3FB0]  }
0x2e: {  	s3 =	simm.s32 @!p0 $0x1082;
	s9 =	sld [smem:$0x3FB1]  }
0x2f: {  	lr =	sadd.s32 s0, s3;
	s0 =	sld [smem:$0x3FA8]  }
0x30: {  	s3 =	sld [smem:$0x3FAB]  }
0x31: {  	[smem:$0x3FB4] =	sst s10  }
0x32: {  	s10 =	sld [smem:$0x3FB2];
	_ =	sdelay $0x3  }
0x33: {  	p0 =	seq.s32 s10, $0x1;
	s10 =	sld [smem:$0x3FB4];
	_ =	sdelay $0x3  }
0x34: {  	[smem:$0x3FB4] =	sst s10  }
0x35: {  	s10 =	sld [smem:$0x3FB3];
	_ =	sdelay $0x3  }
0x36: {  	p1 =	seq.s32 s10, $0x1;
	s10 =	sld [smem:$0x3FB4];
	_ =	sdelay $0x3  }
0x37: {  	[smem:$0x3FB4] =	sst s10  }
0x38: {  	s10 =	sld [smem:$0x3FB5]  }
0x39: {  	_ = 	snop;
	(pc) =	sbr.ind lr, $3  }
0x3a: {  	_ = 	snop  }
0x3b: {  	_ = 	snop  }
0x3c: {  	p2 =	seq.s32 s10, $0x1;
	s10 =	sld [smem:$0x3FB4]  }
0x3d: {  	_ =	shalt  }
0x3e: {  	_ =	shalt  }
0x3f: {  	_ =	shalt  }
0x40: {  	_ =	shalt  }
0x41: {  	_ =	shalt  }
0x42: {  	_ =	shalt  }
0x43: {  	_ =	shalt  }
0x44: {  	_ =	shalt  }
0x45: {  	_ =	shalt  }
0x46: {  	_ =	shalt  }
0x47: {  	_ =	shalt  }
0x48: {  	_ =	shalt  }
0x49: {  	_ =	shalt  }
0x4a: {  	_ =	shalt  }
0x4b: {  	_ =	shalt  }
0x4c: {  	_ =	shalt  }
0x4d: {  	_ =	shalt  }
0x4e: {  	_ =	shalt  }
0x4f: {  	_ =	shalt  }
0x50: {  	_ =	shalt  }
0x51: {  	_ =	shalt  }
0x52: {  	_ =	shalt  }
0x53: {  	_ =	shalt  }
0x54: {  	_ =	shalt  }
0x55: {  	_ =	shalt  }
0x56: {  	_ =	shalt  }
0x57: {  	_ =	shalt  }
0x58: {  	_ =	shalt  }
0x59: {  	_ =	shalt  }
0x5a: {  	_ =	shalt  }
0x5b: {  	_ =	shalt  }
0x5c: {  	_ =	shalt  }
0x5d: {  	_ =	shalt  }
0x5e: {  	_ =	shalt  }
0x5f: {  	_ =	shalt  }
0x60: {  	_ =	shalt  }
0x61: {  	_ =	shalt  }
0x62: {  	_ =	shalt  }
0x63: {  	_ =	shalt  }
0x64: {  	_ =	shalt  }
0x65: {  	_ =	shalt  }
0x66: {  	_ =	shalt  }
0x67: {  	_ =	shalt  }
0x68: {  	_ =	shalt  }
0x69: {  	_ =	shalt  }
0x6a: {  	_ =	shalt  }
0x6b: {  	_ =	shalt  }
0x6c: {  	_ =	shalt  }
0x6d: {  	_ =	shalt  }
0x6e: {  	_ =	shalt  }
0x6f: {  	_ =	shalt  }
0x70: {  	_ =	shalt  }
0x71: {  	_ =	shalt  }
0x72: {  	_ =	shalt  }
0x73: {  	_ =	shalt  }
0x74: {  	_ =	shalt  }
0x75: {  	_ =	shalt  }
0x76: {  	_ =	shalt  }
0x77: {  	_ =	shalt  }
0x78: {  	_ =	shalt  }
0x79: {  	_ =	shalt  }
0x7a: {  	_ =	shalt  }
0x7b: {  	_ =	shalt  }
0x7c: {  	_ =	shalt  }
0x7d: {  	_ =	shalt  }
0x7e: {  	_ =	shalt  }
0x7f: {  	_ =	shalt  }
0x80: {  	_ =	shalt  }
0x81: {  	_ =	shalt  }
0x82: {  	_ =	shalt  }
0x83: {  	_ =	shalt  }
0x84: {  	_ =	shalt  }
0x85: {  	_ =	shalt  }
0x86: {  	_ =	shalt  }
0x87: {  	_ =	shalt  }
.Lfunc_end0:
.L_simem_size_0:
called_computation.2_lowered:
.L_overlay_start_0:
0x88: {  	s2 =	sld [smem:$0x3FD9]  }
0x89: {  	s3 =	sld [smem:$0x3FFE];
	_ =	sdelay $0x1  }
0x8a: {  	s1 =	srdreg.scid  }
0x8b: {  	s0 =	sand.u32 $0x1, s1  }
0x8c: {  	s16 =	sshll.u32 s0, $0xA;
	s2 =	sadd.s32 s3, s2  }
0x8d: {  	s2 =	sadd.s32 s2, s16  }
0x8e: {  	[smem:$0x3FC0] =	sst s2  }
0x8f: {  	_ = 	snop  }
0x90: {  	(tm) =	ssettm $0x1  }
0x91: {  	s17 =	sld [smem:$0x3FFB];
	_ =	sdelay $0x3  }
0x92: {  	_ =	strace s17  }
0x93: {  	s2 =	sld [smem:$0x3FFC];
	_ =	sdelay $0x3  }
0x94: {  	_ =	strace s2  }
0x95: {  	s2 =	sld [smem:$0x3FFD];
	_ =	sdelay $0x3  }
0x96: {  	_ =	strace s2  }
0x97: {  	_ =	strace $0x8FFFFFFF  }
0x98: {  	s18 =	sld [smem:$0x3FDB];
	_ =	sdelay $0x1  }
0x99: {  	s19 =	simm.s32 $_scs_section_size  }
0x9a: {  	s4 =	simm.s32 $_size__tile_overlayer_lowered;
	s5 =	simm.s32 $_tile_overlayer_lowered  }
0x9b: {  	s22 =	simm.s32 $0x1BFF;
	s21 =	sshll.u32 s5, $0x1;
	s2 =	sadd.s32 s19, s18  }
0x9c: {  	s6 =	simm.s32 $0x0;
	s20 =	sshll.u32 s4, $0x1;
	s4 =	sadd.s32 s21, s2  }
0x9d: {  	[timem:s6], [sflag:s22] =	dma.local [hbm:s4], s20  }
0x9e: {  	_ =	swait.ge [sflag:s22], s20  }
0x9f: {  	s3 =	ssub.s32 $0x0, s20;
	[sflag:s22] =	ssyncset.done $0x0  }
0xa0: {  	[sflag:s22] =	ssyncadd.s32 s3;
	_ =	sdelay $0x1  }
0xa1: {  	s23 =	simm.s32 $0x1B8B  }
0xa2: {  	_ =	swait.ge [sflag:s23], $0x1  }
0xa3: {  	[sflag:s23] =	ssyncset.done $0x0  }
0xa4: {  	s25 =	simm.s32 $0x1B8E;
	s24 =	sld [smem:$0x3FFE];
	[sflag:s23] =	ssyncadd.s32 $0xFFFFFFFF  }
0xa5: {  	s26 =	simm.s32 $execute0_lowered;
	[smem:$0x3FD2] =	sst s25  }
0xa6: {  	s4 =	sshll.u32 s26, $0x1;
	_ =	strace $0x8000004C;
	[dreg:$0x1] =	wrdreg $0xFFFFFFFF  }
0xa7: {  	s28 =	simm.s32 $_size_execute0_lowered;
	s2 =	sadd.s32 s2, s4;
	[dreg:$0x0] =	wrdreg $0x0  }
0xa8: {  	s4 =	sshll.u32 s28, $0x1;
	[dreg:$0x2] =	wrdreg s2  }
0xa9: {  	[dreg:$0x3] =	wrdreg s4  }
0xaa: {  	[dreg:$0x4] =	wrdreg $0xC0  }
0xab: {  	_ =	task [dreg:s6], $0x5FFFF  }
0xac: {  	[dreg:$0x1] =	wrdreg $0xFFFFFFFF  }
0xad: {  	[dreg:$0x0] =	wrdreg $0x60  }
0xae: {  	[dreg:$0x2] =	wrdreg s24  }
0xaf: {  	[dreg:$0x3] =	wrdreg $0xA4000  }
0xb0: {  	[dreg:$0x4] =	wrdreg $0x9  }
0xb1: {  	_ =	task.clear_ibuf [dreg:s6], $0x5FFFF;
	_ =	strace $0x9000004C  }
0xb2: {  	s29 =	simm.s32 $0x9;
	_ =	strace $0x8000004E  }
0xb3: {  	_ =	swait.ge [sflag:s29], $0x1  }
0xb4: {  	[sflag:s29] =	ssyncadd.s32 $0xFFFFFFFF  }
0xb5: {  	_ =	strace $0x9000004E  }
0xb6: {  	_ =	sfence  }
0xb7: {  	s30 =	sld [smem:$0x0];
	_ =	sdelay $0x2  }
0xb8: {  	s31 =	sshll.u32 s1, $0xD;
	s1 =	sshrl.u32 s1, $0x2  }
0xb9: {  	s3 =	sand.u32 $0x4000, s31;
	s1 =	sadd.s32 s1, s30  }
0xba: {  	s0 =	sor.u32 s3, s0;
	s1 =	sshll.u32 s1, $0x11  }
0xbb: {  	s0 =	sor.u32 s1, s0  }
0xbc: {  	s0 =	sadd.s32 $0x8F2B, s0  }
0xbd: {  	[sflag:s0] =	ssyncadd.remote.s32 $0x1  }
0xbe: {  	_ =	sfence.sel $0xFFFF  }
0xbf: {  	[dreg:$0x0] =	wrdreg $0xFFFFFFFF;
	(pc) =	sbr.abs _section_cstart, $3  }
0xc0: {  	[dreg:$0x1] =	wrdreg $0xFFFFFFFF  }
0xc1: {  	_ =	task.clear_ibuf [dreg:s6], $0x2FFFF;
	_ =	strace $0x9FFFFFFF  }
0xc2: {  	(tm) =	ssettm $0x7FFFFFFF  }
0xc3: {  	_ =	shalt  }
tec
execute0_lowered:
.L_overlay_start_1:
0x0: {  	(tag) =	ssettag $0x1  }
0x1: {  	s0 =	rddreg [dreg:$0x0]  }
0x2: {  	s2 =	rddreg [dreg:$0x1]  }
0x3: {  	s3 =	simm.s32 $0x0;
	s13 =	stileid.u32;
	s1 =	srdreg.scid  }
0x4: {  	s28 =	simm.s32 $0x1;
	s29 =	simm.s32 $0x2;
	s30 =	simm.s32 $0x3  }
0x5: {  	s31 =	simm.s32 $0x4;
	[smem:$0x7FF] =	sst s3;
	s5 =	smul.u32 $0x13C00, s13  }
0x6: {  	s1 =	sand.u32 $0x1, s1;
	s4 =	sadd.s32 $0x67800, s0;
	s25 =	smul.u32 $0x4F000, s13  }
0x7: {  	s6 =	sadd.s32 $0x3A00, s0;
	s8 =	sadd.s32 $0xD800, s0;
	s12 =	smul.u32 $0x2710, s13  }
0x8: {  	_ =	strace $0x8000004D;
	s7 =	smul.u32 $0x13C000, s1;
	s10 =	sshll.u32 s1, $0x4  }
0x9: {  	s26 =	ssub.s32 $0x2, s1;
	s1 =	smul.u32 $0x27100, s1;
	s9 =	sshrl.u32 s5, $0x3  }
0xa: {  	s10 =	sor.u32 s13, s10;
	s11 =	sshrl.u32 s26, $0x1;
	s5 =	sadd.s32 s5, s7  }
0xb: {  	s9 =	sadd.s32 s9, s0;
	s10 =	smul.u32 $0x2710, s10;
	s7 =	sshrl.u32 s25, $0x2  }
0xc: {  	s1 =	sadd.s32 s12, s1;
	s5 =	sshrl.u32 s5, $0x3;
	s7 =	sadd.s32 s7, s2  }
0xd: {  	s9 =	sadd.s32 $0x8EA00, s9;
	s14 =	sadd.s32 $0xF0, s1;
	s18 =	sadd.s32 $0xA0, s1  }
0xe: {  	s22 =	sadd.s32 $0x50, s1;
	s1 =	sshrl.u32 s1, $0x3;
	[dreg:$0x9] =	wrdreg s7  }
0xf: {  	s0 =	sadd.s32 s5, s0;
	s5 =	ssub.s32 s26, s11;
	[dreg:$0xa] =	wrdreg s9  }
0x10: {  	s11 =	sshll.u32 s13, $0x6;
	s13 =	sshrl.u32 s10, $0x3;
	s16 =	sshrl.u32 s14, $0x3  }
0x11: {  	s20 =	sshrl.u32 s18, $0x3;
	s24 =	sshrl.u32 s22, $0x3;
	s12 =	sadd.s32 s1, s8  }
0x12: {  	s14 =	simm.s32 $0x5;
	s18 =	simm.s32 $0x80;
	s22 =	simm.s32 $0x300  }
0x13: {  	s7 =	sor.u32 $0x1C05, s11;
	s9 =	sadd.s32 $0x4D8, s13;
	s0 =	sadd.s32 $0xB6200, s0  }
0x14: {  	s17 =	sadd.s32 s16, s8;
	s19 =	sadd.s32 s16, s6;
	[dreg:$0xd] =	wrdreg s0  }
0x15: {  	s21 =	sadd.s32 s20, s8;
	s23 =	sadd.s32 s20, s6;
	[dreg:$0x3] =	wrdreg s17  }
0x16: {  	s11 =	smax.u32 s5, $0x1;
	s25 =	sadd.s32 s24, s8;
	[dreg:$0x4] =	wrdreg s19  }
0x17: {  	s26 =	sadd.s32 s24, s6;
	s13 =	sadd.s32 s1, s6;
	[dreg:$0x5] =	wrdreg s21  }
0x18: {  	s16 =	simm.s32 $0x50;
	s20 =	simm.s32 $0x2C00;
	[dreg:$0x6] =	wrdreg s23  }
0x19: {  	s24 =	simm.s32 $0x180;
	s15 =	sadd.s32 s6, s9;
	[dreg:$0x7] =	wrdreg s25  }
0x1a: {  	s9 =	sadd.s32 s8, s9;
	[dreg:$0x8] =	wrdreg s26;
	s17 =	simm.s32 $0x400  }
0x1b: {  	s19 =	simm.s32 $0x280;
	s21 =	simm.s32 $0x100;
	s23 =	simm.s32 $0x5400  }
0x1c: {  	s25 =	simm.s32 $0x380;
	s26 =	simm.s32 $0x7C00;
	[dreg:$0xb] =	wrdreg s15  }
0x1d: {  	s0 =	simm.s32 $0x0;
	[dreg:$0xc] =	wrdreg s9;
	s15 =	simm.s32 $0x200  }
.LBB2_1:
0x1e: {  	s1 =	rddreg [dreg:$0x9]  }
0x1f: {  	s5 =	rddreg [dreg:$0xa];
	s1 =	sshrl.u32 s1, $0x3  }
0x20: {  	[spmem:s1], [sflag:s7] =	dma.local [hbm:s5], $0x2780  }
0x21: {  	_ =	swait.ge [sflag:s14], $0x2780  }
0x22: {  	[sflag:s14] =	ssyncset.done $0x0  }
0x23: {  	[sflag:s14] =	ssyncadd.s32 $0xFFFFD880  }
0x24: {  	s6 =	sadd.s32 $0x0, s13;
	[bflag:$0x0] =	sbarrier.arrive $0xFFFF  }
0x25: {  	[tilespmem:s3], [sflag:$0x5] =	stream.linear.gather [hbm4b:s6+s3], $0x50, $0x38;
	[tilespmem:$0x1E000] =	vst v63  }
0x26: {  	_ =	swait.ge [sflag:s14], $0x50  }
0x27: {  	[sflag:s14] =	ssyncset.done $0x0  }
0x28: {  	s8 =	sadd.s32 $0x0, s12;
	[sflag:s14] =	ssyncadd.s32 $0xFFFFFFB0  }
0x29: {  	[tilespmem:s15], [sflag:$0x5] =	stream.linear.gather [hbm4b:s8+s3], $0x50, $0x38;
	[tilespmem:$0x1E000] =	vst v63  }
0x2a: {  	_ =	swait.ge [sflag:s14], $0x50  }
0x2b: {  	[sflag:s14] =	ssyncset.done $0x0  }
0x2c: {  	s9 =	rddreg [dreg:$0x8];
	[sflag:s14] =	ssyncadd.s32 $0xFFFFFFB0  }
0x2d: {  	[tilespmem:s17], [sflag:$0x1] =	stream.indirect.gather [hbm4b:s4+s16], $0x80, s3, s16, $0xb8;
	[tilespmem:$0x1E000] =	vst v63  }
0x2e: {  	s5 =	sadd.s32 $0x0, s9  }
0x2f: {  	[tilespmem:s18], [sflag:$0x5] =	stream.linear.gather [hbm4b:s5+s3], $0x50, $0x38;
	[tilespmem:$0x1E000] =	vst v63  }
0x30: {  	_ =	swait.ge [sflag:s14], $0x50  }
0x31: {  	s10 =	rddreg [dreg:$0x7];
	[sflag:s14] =	ssyncset.done $0x0  }
0x32: {  	[sflag:s14] =	ssyncadd.s32 $0xFFFFFFB0;
	s5 =	sadd.s32 $0x0, s10  }
0x33: {  	[tilespmem:s19], [sflag:$0x5] =	stream.linear.gather [hbm4b:s5+s3], $0x50, $0x38;
	[tilespmem:$0x1E000] =	vst v63  }
0x34: {  	_ =	swait.ge [sflag:s14], $0x50  }
0x35: {  	[sflag:s14] =	ssyncset.done $0x0  }
0x36: {  	s6 =	rddreg [dreg:$0x6];
	[sflag:s14] =	ssyncadd.s32 $0xFFFFFFB0  }
0x37: {  	[tilespmem:s20], [sflag:$0x2] =	stream.indirect.gather [hbm4b:s4+s16], $0x80, s18, s16, $0xb8;
	[tilespmem:$0x1E000] =	vst v63  }
0x38: {  	s5 =	sadd.s32 $0x0, s6  }
0x39: {  	[tilespmem:s21], [sflag:$0x5] =	stream.linear.gather [hbm4b:s5+s3], $0x50, $0x38;
	[tilespmem:$0x1E000] =	vst v63  }
0x3a: {  	_ =	swait.ge [sflag:s14], $0x50  }
0x3b: {  	s8 =	rddreg [dreg:$0x5];
	[sflag:s14] =	ssyncset.done $0x0  }
0x3c: {  	[sflag:s14] =	ssyncadd.s32 $0xFFFFFFB0;
	s5 =	sadd.s32 $0x0, s8  }
0x3d: {  	[tilespmem:s22], [sflag:$0x5] =	stream.linear.gather [hbm4b:s5+s3], $0x50, $0x38;
	[tilespmem:$0x1E000] =	vst v63  }
0x3e: {  	_ =	swait.ge [sflag:s14], $0x50  }
0x3f: {  	[sflag:s14] =	ssyncset.done $0x0  }
0x40: {  	s9 =	rddreg [dreg:$0x4];
	[sflag:s14] =	ssyncadd.s32 $0xFFFFFFB0  }
0x41: {  	[tilespmem:s23], [sflag:$0x3] =	stream.indirect.gather [hbm4b:s4+s16], $0x80, s21, s16, $0xb8;
	[tilespmem:$0x1E000] =	vst v63  }
0x42: {  	s5 =	sadd.s32 $0x0, s9  }
0x43: {  	[tilespmem:s24], [sflag:$0x5] =	stream.linear.gather [hbm4b:s5+s3], $0x50, $0x38;
	[tilespmem:$0x1E000] =	vst v63  }
0x44: {  	_ =	swait.ge [sflag:s14], $0x50  }
0x45: {  	s10 =	rddreg [dreg:$0x3];
	[sflag:s14] =	ssyncset.done $0x0  }
0x46: {  	[sflag:s14] =	ssyncadd.s32 $0xFFFFFFB0;
	s5 =	sadd.s32 $0x0, s10  }
0x47: {  	[tilespmem:s25], [sflag:$0x5] =	stream.linear.gather [hbm4b:s5+s3], $0x50, $0x38;
	[tilespmem:$0x1E000] =	vst v63  }
0x48: {  	_ =	swait.ge [sflag:s14], $0x50  }
0x49: {  	[sflag:s14] =	ssyncset.done $0x0  }
0x4a: {  	[sflag:s14] =	ssyncadd.s32 $0xFFFFFFB0  }
0x4b: {  	[tilespmem:s26], [sflag:$0x4] =	stream.indirect.gather [hbm4b:s4+s16], $0x80, s24, s16, $0xb8;
	[tilespmem:$0x1E000] =	vst v63  }
0x4c: {  	_ =	swait.ge [sflag:s28], $0x2800  }
0x4d: {  	[sflag:s28] =	ssyncset.done $0x0  }
0x4e: {  	[sflag:s28] =	ssyncadd.s32 $0xFFFFD800  }
0x4f: {  	[spmem:s2] =	stream.indirect.scatter.add.f32 [tilespmem:s17], [sflag:$0x5], $0x80, s15, s16, $0xb8;
	[tilespmem:$0x1E000] =	vst v63  }
0x50: {  	_ =	swait.ge [sflag:s14], $0x2800  }
0x51: {  	[sflag:s14] =	ssyncset.done $0x0  }
0x52: {  	[sflag:s14] =	ssyncadd.s32 $0xFFFFD800  }
0x53: {  	_ =	swait.ge [sflag:s29], $0x2800  }
0x54: {  	[sflag:s29] =	ssyncset.done $0x0  }
0x55: {  	[sflag:s29] =	ssyncadd.s32 $0xFFFFD800  }
0x56: {  	[spmem:s2] =	stream.indirect.scatter.add.f32 [tilespmem:s20], [sflag:$0x5], $0x80, s19, s16, $0xb8;
	[tilespmem:$0x1E000] =	vst v63  }
0x57: {  	_ =	swait.ge [sflag:s14], $0x2800  }
0x58: {  	[sflag:s14] =	ssyncset.done $0x0  }
0x59: {  	[sflag:s14] =	ssyncadd.s32 $0xFFFFD800  }
0x5a: {  	_ =	swait.ge [sflag:s30], $0x2800  }
0x5b: {  	[sflag:s30] =	ssyncset.done $0x0  }
0x5c: {  	[sflag:s30] =	ssyncadd.s32 $0xFFFFD800  }
0x5d: {  	[spmem:s2] =	stream.indirect.scatter.add.f32 [tilespmem:s23], [sflag:$0x5], $0x80, s22, s16, $0xb8;
	[tilespmem:$0x1E000] =	vst v63  }
0x5e: {  	_ =	swait.ge [sflag:s14], $0x2800  }
0x5f: {  	[sflag:s14] =	ssyncset.done $0x0  }
0x60: {  	[sflag:s14] =	ssyncadd.s32 $0xFFFFD800  }
0x61: {  	_ =	swait.ge [sflag:s31], $0x2800  }
0x62: {  	[sflag:s31] =	ssyncset.done $0x0  }
0x63: {  	[sflag:s31] =	ssyncadd.s32 $0xFFFFD800  }
0x64: {  	[spmem:s2] =	stream.indirect.scatter.add.f32 [tilespmem:s26], [sflag:$0x5], $0x80, s25, s16, $0xb8;
	[tilespmem:$0x1E000] =	vst v63  }
0x65: {  	_ =	swait.ge [sflag:s14], $0x2800  }
0x66: {  	s6 =	simm.s32 $0x50;
	s5 =	simm.s32 $0x28;
	[sflag:s14] =	ssyncset.done $0x0  }
.LBB2_2:
0x67: {  	s10 =	sadd.s32 s5, s13;
	[sflag:s14] =	ssyncadd.s32 $0xFFFFD800  }
0x68: {  	[tilespmem:s3], [sflag:$0x5] =	stream.linear.gather [hbm4b:s10+s3], $0x50, $0x38;
	[tilespmem:$0x1E000] =	vst v63  }
0x69: {  	_ =	swait.ge [sflag:s14], $0x50  }
0x6a: {  	[sflag:s14] =	ssyncset.done $0x0  }
0x6b: {  	s10 =	sadd.s32 s5, s12;
	[sflag:s14] =	ssyncadd.s32 $0xFFFFFFB0  }
0x6c: {  	[tilespmem:s15], [sflag:$0x5] =	stream.linear.gather [hbm4b:s10+s3], $0x50, $0x38;
	[tilespmem:$0x1E000] =	vst v63  }
0x6d: {  	_ =	swait.ge [sflag:s14], $0x50  }
0x6e: {  	[sflag:s14] =	ssyncset.done $0x0  }
0x6f: {  	s8 =	smov.u32 s6;
	s10 =	rddreg [dreg:$0x8];
	[sflag:s14] =	ssyncadd.s32 $0xFFFFFFB0  }
0x70: {  	[tilespmem:s17], [sflag:$0x1] =	stream.indirect.gather [hbm4b:s4+s16], $0x80, s3, s16, $0xb8;
	[tilespmem:$0x1E000] =	vst v63  }
0x71: {  	s9 =	sadd.s32 $0x28, s6;
	p0 =	sne.s32 s6, $0x4B0;
	s6 =	sadd.s32 s5, s10  }
0x72: {  	[tilespmem:s18], [sflag:$0x5] =	stream.linear.gather [hbm4b:s6+s3], $0x50, $0x38;
	[tilespmem:$0x1E000] =	vst v63  }
0x73: {  	_ =	swait.ge [sflag:s14], $0x50  }
0x74: {  	s10 =	rddreg [dreg:$0x7];
	[sflag:s14] =	ssyncset.done $0x0  }
0x75: {  	[sflag:s14] =	ssyncadd.s32 $0xFFFFFFB0;
	s6 =	sadd.s32 s5, s10  }
0x76: {  	[tilespmem:s19], [sflag:$0x5] =	stream.linear.gather [hbm4b:s6+s3], $0x50, $0x38;
	[tilespmem:$0x1E000] =	vst v63  }
0x77: {  	_ =	swait.ge [sflag:s14], $0x50  }
0x78: {  	[sflag:s14] =	ssyncset.done $0x0  }
0x79: {  	s10 =	rddreg [dreg:$0x6];
	[sflag:s14] =	ssyncadd.s32 $0xFFFFFFB0  }
0x7a: {  	[tilespmem:s20], [sflag:$0x2] =	stream.indirect.gather [hbm4b:s4+s16], $0x80, s18, s16, $0xb8;
	[tilespmem:$0x1E000] =	vst v63  }
0x7b: {  	s6 =	sadd.s32 s5, s10  }
0x7c: {  	[tilespmem:s21], [sflag:$0x5] =	stream.linear.gather [hbm4b:s6+s3], $0x50, $0x38;
	[tilespmem:$0x1E000] =	vst v63  }
0x7d: {  	_ =	swait.ge [sflag:s14], $0x50  }
0x7e: {  	s10 =	rddreg [dreg:$0x5];
	[sflag:s14] =	ssyncset.done $0x0  }
0x7f: {  	[sflag:s14] =	ssyncadd.s32 $0xFFFFFFB0;
	s6 =	sadd.s32 s5, s10  }
0x80: {  	[tilespmem:s22], [sflag:$0x5] =	stream.linear.gather [hbm4b:s6+s3], $0x50, $0x38;
	[tilespmem:$0x1E000] =	vst v63  }
0x81: {  	_ =	swait.ge [sflag:s14], $0x50  }
0x82: {  	[sflag:s14] =	ssyncset.done $0x0  }
0x83: {  	s10 =	rddreg [dreg:$0x4];
	[sflag:s14] =	ssyncadd.s32 $0xFFFFFFB0  }
0x84: {  	[tilespmem:s23], [sflag:$0x3] =	stream.indirect.gather [hbm4b:s4+s16], $0x80, s21, s16, $0xb8;
	[tilespmem:$0x1E000] =	vst v63  }
0x85: {  	s6 =	sadd.s32 s5, s10  }
0x86: {  	[tilespmem:s24], [sflag:$0x5] =	stream.linear.gather [hbm4b:s6+s3], $0x50, $0x38;
	[tilespmem:$0x1E000] =	vst v63  }
0x87: {  	_ =	swait.ge [sflag:s14], $0x50  }
0x88: {  	s10 =	rddreg [dreg:$0x3];
	[sflag:s14] =	ssyncset.done $0x0  }
0x89: {  	[sflag:s14] =	ssyncadd.s32 $0xFFFFFFB0;
	s6 =	sadd.s32 s5, s10  }
0x8a: {  	[tilespmem:s25], [sflag:$0x5] =	stream.linear.gather [hbm4b:s6+s3], $0x50, $0x38;
	[tilespmem:$0x1E000] =	vst v63  }
0x8b: {  	_ =	swait.ge [sflag:s14], $0x50  }
0x8c: {  	[sflag:s14] =	ssyncset.done $0x0  }
0x8d: {  	[sflag:s14] =	ssyncadd.s32 $0xFFFFFFB0  }
0x8e: {  	[tilespmem:s26], [sflag:$0x4] =	stream.indirect.gather [hbm4b:s4+s16], $0x80, s24, s16, $0xb8;
	[tilespmem:$0x1E000] =	vst v63  }
0x8f: {  	_ =	swait.ge [sflag:s28], $0x2800  }
0x90: {  	[sflag:s28] =	ssyncset.done $0x0  }
0x91: {  	[sflag:s28] =	ssyncadd.s32 $0xFFFFD800  }
0x92: {  	[spmem:s2] =	stream.indirect.scatter.add.f32 [tilespmem:s17], [sflag:$0x5], $0x80, s15, s16, $0xb8;
	[tilespmem:$0x1E000] =	vst v63  }
0x93: {  	_ =	swait.ge [sflag:s14], $0x2800  }
0x94: {  	[sflag:s14] =	ssyncset.done $0x0  }
0x95: {  	[sflag:s14] =	ssyncadd.s32 $0xFFFFD800  }
0x96: {  	_ =	swait.ge [sflag:s29], $0x2800  }
0x97: {  	[sflag:s29] =	ssyncset.done $0x0  }
0x98: {  	[sflag:s29] =	ssyncadd.s32 $0xFFFFD800  }
0x99: {  	[spmem:s2] =	stream.indirect.scatter.add.f32 [tilespmem:s20], [sflag:$0x5], $0x80, s19, s16, $0xb8;
	[tilespmem:$0x1E000] =	vst v63  }
0x9a: {  	_ =	swait.ge [sflag:s14], $0x2800  }
0x9b: {  	[sflag:s14] =	ssyncset.done $0x0  }
0x9c: {  	[sflag:s14] =	ssyncadd.s32 $0xFFFFD800  }
0x9d: {  	_ =	swait.ge [sflag:s30], $0x2800  }
0x9e: {  	[sflag:s30] =	ssyncset.done $0x0  }
0x9f: {  	[sflag:s30] =	ssyncadd.s32 $0xFFFFD800  }
0xa0: {  	[spmem:s2] =	stream.indirect.scatter.add.f32 [tilespmem:s23], [sflag:$0x5], $0x80, s22, s16, $0xb8;
	[tilespmem:$0x1E000] =	vst v63  }
0xa1: {  	_ =	swait.ge [sflag:s14], $0x2800  }
0xa2: {  	[sflag:s14] =	ssyncset.done $0x0  }
0xa3: {  	[sflag:s14] =	ssyncadd.s32 $0xFFFFD800  }
0xa4: {  	_ =	swait.ge [sflag:s31], $0x2800  }
.Ltmp0:
0xa5: {  	[sflag:s31] =	ssyncset.done $0x0;
	(pc) =	sbr.rel @p0 .LBB2_2-.Ltmp0, $4  }
0xa6: {  	[sflag:s31] =	ssyncadd.s32 $0xFFFFD800  }
0xa7: {  	[spmem:s2] =	stream.indirect.scatter.add.f32 [tilespmem:s26], [sflag:$0x5], $0x80, s25, s16, $0xb8;
	[tilespmem:$0x1E000] =	vst v63  }
0xa8: {  	_ =	swait.ge [sflag:s14], $0x2800  }
0xa9: {  	s5 =	smov.u32 s8;
	s6 =	smov.u32 s9;
	[sflag:s14] =	ssyncset.done $0x0  }
0xaa: {  	s6 =	sadd.s32 s5, s13;
	[sflag:s14] =	ssyncadd.s32 $0xFFFFD800  }
0xab: {  	[tilespmem:s3], [sflag:$0x5] =	stream.linear.gather [hbm4b:s6+s3], $0x50, $0x38;
	[tilespmem:$0x1E000] =	vst v63  }
0xac: {  	_ =	swait.ge [sflag:s14], $0x50  }
0xad: {  	[sflag:s14] =	ssyncset.done $0x0  }
0xae: {  	s10 =	sadd.s32 s5, s12;
	[sflag:s14] =	ssyncadd.s32 $0xFFFFFFB0  }
0xaf: {  	[tilespmem:s15], [sflag:$0x5] =	stream.linear.gather [hbm4b:s10+s3], $0x50, $0x38;
	[tilespmem:$0x1E000] =	vst v63  }
0xb0: {  	_ =	swait.ge [sflag:s14], $0x50  }
0xb1: {  	[sflag:s14] =	ssyncset.done $0x0  }
0xb2: {  	s8 =	rddreg [dreg:$0x8];
	[sflag:s14] =	ssyncadd.s32 $0xFFFFFFB0  }
0xb3: {  	[tilespmem:s17], [sflag:$0x1] =	stream.indirect.gather [hbm4b:s4+s16], $0x80, s3, s16, $0xb8;
	[tilespmem:$0x1E000] =	vst v63  }
0xb4: {  	s6 =	sadd.s32 s5, s8  }
0xb5: {  	[tilespmem:s18], [sflag:$0x5] =	stream.linear.gather [hbm4b:s6+s3], $0x50, $0x38;
	[tilespmem:$0x1E000] =	vst v63  }
0xb6: {  	_ =	swait.ge [sflag:s14], $0x50  }
0xb7: {  	s9 =	rddreg [dreg:$0x7];
	[sflag:s14] =	ssyncset.done $0x0  }
0xb8: {  	[sflag:s14] =	ssyncadd.s32 $0xFFFFFFB0;
	s6 =	sadd.s32 s5, s9  }
0xb9: {  	[tilespmem:s19], [sflag:$0x5] =	stream.linear.gather [hbm4b:s6+s3], $0x50, $0x38;
	[tilespmem:$0x1E000] =	vst v63  }
0xba: {  	_ =	swait.ge [sflag:s14], $0x50  }
0xbb: {  	[sflag:s14] =	ssyncset.done $0x0  }
0xbc: {  	s10 =	rddreg [dreg:$0x6];
	[sflag:s14] =	ssyncadd.s32 $0xFFFFFFB0  }
0xbd: {  	[tilespmem:s20], [sflag:$0x2] =	stream.indirect.gather [hbm4b:s4+s16], $0x80, s18, s16, $0xb8;
	[tilespmem:$0x1E000] =	vst v63  }
0xbe: {  	s6 =	sadd.s32 s5, s10  }
0xbf: {  	[tilespmem:s21], [sflag:$0x5] =	stream.linear.gather [hbm4b:s6+s3], $0x50, $0x38;
	[tilespmem:$0x1E000] =	vst v63  }
0xc0: {  	_ =	swait.ge [sflag:s14], $0x50  }
0xc1: {  	s8 =	rddreg [dreg:$0x5];
	[sflag:s14] =	ssyncset.done $0x0  }
0xc2: {  	[sflag:s14] =	ssyncadd.s32 $0xFFFFFFB0;
	s6 =	sadd.s32 s5, s8  }
0xc3: {  	[tilespmem:s22], [sflag:$0x5] =	stream.linear.gather [hbm4b:s6+s3], $0x50, $0x38;
	[tilespmem:$0x1E000] =	vst v63  }
0xc4: {  	_ =	swait.ge [sflag:s14], $0x50  }
0xc5: {  	[sflag:s14] =	ssyncset.done $0x0  }
0xc6: {  	s9 =	rddreg [dreg:$0x4];
	[sflag:s14] =	ssyncadd.s32 $0xFFFFFFB0  }
0xc7: {  	[tilespmem:s23], [sflag:$0x3] =	stream.indirect.gather [hbm4b:s4+s16], $0x80, s21, s16, $0xb8;
	[tilespmem:$0x1E000] =	vst v63  }
0xc8: {  	s6 =	sadd.s32 s5, s9  }
0xc9: {  	[tilespmem:s24], [sflag:$0x5] =	stream.linear.gather [hbm4b:s6+s3], $0x50, $0x38;
	[tilespmem:$0x1E000] =	vst v63  }
0xca: {  	_ =	swait.ge [sflag:s14], $0x50  }
0xcb: {  	s10 =	rddreg [dreg:$0x3];
	[sflag:s14] =	ssyncset.done $0x0  }
0xcc: {  	s6 =	sadd.s32 s5, s10;
	[sflag:s14] =	ssyncadd.s32 $0xFFFFFFB0  }
0xcd: {  	[tilespmem:s25], [sflag:$0x5] =	stream.linear.gather [hbm4b:s6+s3], $0x50, $0x38;
	[tilespmem:$0x1E000] =	vst v63  }
0xce: {  	_ =	swait.ge [sflag:s14], $0x50  }
0xcf: {  	[sflag:s14] =	ssyncset.done $0x0  }
0xd0: {  	[sflag:s14] =	ssyncadd.s32 $0xFFFFFFB0  }
0xd1: {  	[tilespmem:s26], [sflag:$0x4] =	stream.indirect.gather [hbm4b:s4+s16], $0x80, s24, s16, $0xb8;
	[tilespmem:$0x1E000] =	vst v63  }
0xd2: {  	_ =	swait.ge [sflag:s28], $0x2800  }
0xd3: {  	[sflag:s28] =	ssyncset.done $0x0  }
0xd4: {  	[sflag:s28] =	ssyncadd.s32 $0xFFFFD800  }
0xd5: {  	[spmem:s2] =	stream.indirect.scatter.add.f32 [tilespmem:s17], [sflag:$0x5], $0x80, s15, s16, $0xb8;
	[tilespmem:$0x1E000] =	vst v63  }
0xd6: {  	_ =	swait.ge [sflag:s14], $0x2800  }
0xd7: {  	[sflag:s14] =	ssyncset.done $0x0  }
0xd8: {  	[sflag:s14] =	ssyncadd.s32 $0xFFFFD800  }
0xd9: {  	_ =	swait.ge [sflag:s29], $0x2800  }
0xda: {  	[sflag:s29] =	ssyncset.done $0x0  }
0xdb: {  	[sflag:s29] =	ssyncadd.s32 $0xFFFFD800  }
0xdc: {  	[spmem:s2] =	stream.indirect.scatter.add.f32 [tilespmem:s20], [sflag:$0x5], $0x80, s19, s16, $0xb8;
	[tilespmem:$0x1E000] =	vst v63  }
0xdd: {  	_ =	swait.ge [sflag:s14], $0x2800  }
0xde: {  	[sflag:s14] =	ssyncset.done $0x0  }
0xdf: {  	[sflag:s14] =	ssyncadd.s32 $0xFFFFD800  }
0xe0: {  	_ =	swait.ge [sflag:s30], $0x2800  }
0xe1: {  	[sflag:s30] =	ssyncset.done $0x0  }
0xe2: {  	[sflag:s30] =	ssyncadd.s32 $0xFFFFD800  }
0xe3: {  	[spmem:s2] =	stream.indirect.scatter.add.f32 [tilespmem:s23], [sflag:$0x5], $0x80, s22, s16, $0xb8;
	[tilespmem:$0x1E000] =	vst v63  }
0xe4: {  	_ =	swait.ge [sflag:s14], $0x2800  }
0xe5: {  	[sflag:s14] =	ssyncset.done $0x0  }
0xe6: {  	[sflag:s14] =	ssyncadd.s32 $0xFFFFD800  }
0xe7: {  	_ =	swait.ge [sflag:s31], $0x2800  }
0xe8: {  	[sflag:s31] =	ssyncset.done $0x0  }
0xe9: {  	[sflag:s31] =	ssyncadd.s32 $0xFFFFD800  }
0xea: {  	[spmem:s2] =	stream.indirect.scatter.add.f32 [tilespmem:s26], [sflag:$0x5], $0x80, s25, s16, $0xb8;
	[tilespmem:$0x1E000] =	vst v63  }
0xeb: {  	_ =	swait.ge [sflag:s14], $0x2800  }
0xec: {  	[sflag:s14] =	ssyncset.done $0x0  }
0xed: {  	s8 =	rddreg [dreg:$0xb];
	[sflag:s14] =	ssyncadd.s32 $0xFFFFD800  }
0xee: {  	[tilespmem:s3], [sflag:$0x5] =	stream.linear.gather [hbm4b:s8+s3], $0x50, $0x38;
	[tilespmem:$0x1E000] =	vst v63  }
0xef: {  	_ =	swait.ge [sflag:s14], $0x50  }
0xf0: {  	[sflag:s14] =	ssyncset.done $0x0  }
0xf1: {  	s9 =	rddreg [dreg:$0xc];
	[sflag:s14] =	ssyncadd.s32 $0xFFFFFFB0  }
0xf2: {  	[tilespmem:s15], [sflag:$0x5] =	stream.linear.gather [hbm4b:s9+s3], $0x50, $0x38;
	[tilespmem:$0x1E000] =	vst v63  }
0xf3: {  	_ =	swait.ge [sflag:s14], $0x50  }
0xf4: {  	[sflag:s14] =	ssyncset.done $0x0  }
0xf5: {  	[sflag:s14] =	ssyncadd.s32 $0xFFFFFFB0  }
0xf6: {  	[tilespmem:s17], [sflag:$0x1] =	stream.indirect.gather [hbm4b:s4+s16], $0x80, s3, s16, $0xb8;
	[tilespmem:$0x1E000] =	vst v63  }
0xf7: {  	_ =	swait.ge [sflag:s28], $0x2800  }
0xf8: {  	[sflag:s28] =	ssyncset.done $0x0  }
0xf9: {  	[sflag:s28] =	ssyncadd.s32 $0xFFFFD800  }
0xfa: {  	[spmem:s2] =	stream.indirect.scatter.add.f32 [tilespmem:s17], [sflag:$0x5], $0x80, s15, s16, $0xb8;
	[tilespmem:$0x1E000] =	vst v63  }
0xfb: {  	_ =	swait.ge [sflag:s14], $0x2800  }
0xfc: {  	[sflag:s14] =	ssyncset.done $0x0  }
0xfd: {  	s0 =	sadd.s32 $0x1, s0;
	[sflag:s14] =	ssyncadd.s32 $0xFFFFD800  }
0xfe: {  	p0 =	sne.s32 s0, s11;
	[bflag:$0x0] =	sbarrier.arrive $0xFFFF  }
.Ltmp1:
0xff: {  	s10 =	rddreg [dreg:$0xd];
	(pc) =	sbr.rel @p0 .LBB2_1-.Ltmp1, $4  }
0x100: {  	[hbm:s10], [sflag:s7] =	dma.local [spmem:s1], $0x2780  }
0x101: {  	_ =	swait.ge [sflag:s14], $0x2780  }
0x102: {  	[sflag:s14] =	ssyncset.done $0x0  }
0x103: {  	[sflag:s14] =	ssyncadd.s32 $0xFFFFD880  }
0x104: {  	_ =	sfence.sel $0x180000  }
0x105: {  	[bflag:$0x0] =	sbarrier.arrive $0xFFFF  }
0x106: {  	_ =	strace $0x9000004D  }
0x107: {  	s0 =	stileid.u32;
	[bflag:$0x2] =	sbarrier.arrive $0xFFFF  }
0x108: {  	p0 =	sne.s32 s0, $0x0;
	s0 =	rddreg [dreg:$0x2]  }
0x109: {  	s0 =	sadd.s32 @!p0 $0x100000, s0  }
0x10a: {  	[sflag:s0] =	ssyncadd.tile.s32 @!p0 $0x1;
	_ =	shalt  }
.Lfunc_end2:
_tile_overlayer_lowered:
.L_overlay_start_2:
0x10b: {  	(tag) =	ssettag $0x2  }
0x10c: {  	s0 =	rddreg [dreg:$0x0];
	s2 =	stileid.u32  }
0x10d: {  	s1 =	rddreg [dreg:$0x1];
	p0 =	sne.s32 s2, $0x0  }
0x10e: {  	s3 =	rddreg [dreg:$0x2];
	[bflag:$0x3] =	sbarrier.arrive $0xFFFF;
	s2 =	simm.s32 @!p0 $0x1C05  }
0x10f: {  	[timem:s3], [sflag:s2] =	dma.local @!p0 [hbm:s0], s1  }
0x110: {  	s0 =	simm.s32 @!p0 $0x5  }
0x111: {  	_ =	swait.ge @!p0 [sflag:s0], s1  }
0x112: {  	s1 =	ssub.s32 @!p0 $0x0, s1;
	[sflag:s0] =	ssyncset.done @!p0 $0x0  }
0x113: {  	[sflag:s0] =	ssyncadd.s32 @!p0 s1  }
0x114: {  	[bflag:$0x3] =	sbarrier.arrive $0xFFFF  }
0x115: {  	_ =	shalt  }

// kernel: kernel.8.cloned.1.call-start
scs
__scs_entry_jumppad:
0x0: {  	(pc) =	sbr.rel $0x88, $3  }
0x1: {  	(tag) =	ssettag $0x0;
	lr =	simm.s32 $0x1  }
0x2: {  	[smem:$0x3F99] =	sst lr;
	_ =	strace $0xD0000000  }
0x3: {  	_ = 	snop  }
0x4: {  	_ = 	snop  }
0x5: {  	_ = 	snop  }
0x6: {  	_ = 	snop  }
0x7: {  	_ = 	snop  }
__scs_overlays_trampoline_lowered:
0x8: {  	[smem:$0x3FA8] =	sst s0  }
0x9: {  	[smem:$0x3FA9] =	sst s1  }
0xa: {  	[smem:$0x3FAA] =	sst s2  }
0xb: {  	[smem:$0x3FAB] =	sst s3  }
0xc: {  	[smem:$0x3FAC] =	sst s4  }
0xd: {  	[smem:$0x3FAD] =	sst s5  }
0xe: {  	[smem:$0x3FAE] =	sst s6  }
0xf: {  	[smem:$0x3FAF] =	sst s7  }
0x10: {  	[smem:$0x3FB0] =	sst s8  }
0x11: {  	[smem:$0x3FB1] =	sst s9;
	s0 =	simm.s32 @!p0 $0x0  }
0x12: {  	s1 =	sld [smem:$0x3F97];
	s0 =	simm.s32 @p0 $0x1  }
0x13: {  	[smem:$0x3FB2] =	sst s0;
	s0 =	simm.s32 @!p1 $0x0  }
0x14: {  	s2 =	sld [smem:$0x3F96];
	s0 =	simm.s32 @p1 $0x1  }
0x15: {  	[smem:$0x3FB3] =	sst s0;
	s0 =	simm.s32 @!p2 $0x0  }
0x16: {  	s3 =	sld [smem:$0x3FDB];
	s0 =	simm.s32 @p2 $0x1  }
0x17: {  	s4 =	simm.s32 $0x1BF5;
	[smem:$0x3FB5] =	sst s0  }
0x18: {  	s0 =	sld [smem:$0x3F98];
	_ =	swait.ge [sflag:s4], $0x0  }
0x19: {  	s7 =	sld [smem:$0x3F99]  }
0x1a: {  	s8 =	sadd.s32 $0xFFFFE003, lr  }
0x1b: {  	s9 =	sadd.s32 $0xFFFFFEF7, lr;
	s5 =	simm.s32 $0xFFFFFFFF;
	p2 =	slt.u32 s8, $0xFFFFF086  }
0x1c: {  	p1 =	slt.u32 s9, $0xF7A;
	s5 =	simm.s32 @!p2 $0x0  }
0x1d: {  	s5 =	simm.s32 @p1 $0x1;
	p0 =	seq.s32 s7, s2  }
0x1e: {  	s7 =	smul.u32 @!p0 $0xF7A, s2;
	p2 =	seq.s32 @!p0 s5, $0x0  }
0x1f: {  	s9 =	smul.u32 $0xF7A, s1;
	s8 =	simm.s32 @!p0 $0x1BF5;
	p2 =	por !p2, p0  }
0x20: {  	[sflag:s8] =	ssyncset.s32 @!p0 $0xFFFFF086;
	s6 =	sadd.s32 @!p0 s3, s7;
	s7 =	simm.s32 @!p0 $0x108  }
0x21: {  	s3 =	sadd.s32 s3, s9;
	s6 =	sadd.s32 @!p0 $0x88, s6;
	s7 =	simm.s32 @p2 $0x1082  }
0x22: {  	[simem:s7], [sflag:s8] =	dma.local @!p0 [hbm:s6], $0xF7A  }
0x23: {  	s9 =	sor.u32 $0xD0000000, s2;
	s6 =	simm.s32 $0x108;
	_ =	swait.ge @!p0 [sflag:s8], $0x0  }
0x24: {  	s3 =	sadd.s32 $0x88, s3;
	s6 =	simm.s32 @!p1 $0x1082;
	[sflag:s4] =	ssyncset.s32 $0xFFFFF086  }
0x25: {  	[simem:s6], [sflag:s4] =	dma.local [hbm:s3], $0xF7A  }
0x26: {  	[smem:$0x3F99] =	sst s1;
	(tag) =	ssettag s2;
	_ =	strace s9  }
0x27: {  	s1 =	sld [smem:$0x3FA9]  }
0x28: {  	s2 =	sld [smem:$0x3FAA]  }
0x29: {  	s4 =	sld [smem:$0x3FAC]  }
0x2a: {  	p0 =	seq.s32 s5, $0x0;
	s5 =	sld [smem:$0x3FAD]  }
0x2b: {  	s6 =	sld [smem:$0x3FAE]  }
0x2c: {  	s7 =	sld [smem:$0x3FAF]  }
0x2d: {  	s3 =	simm.s32 $0x108;
	s8 =	sld [smem:$0x3FB0]  }
0x2e: {  	s3 =	simm.s32 @!p0 $0x1082;
	s9 =	sld [smem:$0x3FB1]  }
0x2f: {  	lr =	sadd.s32 s0, s3;
	s0 =	sld [smem:$0x3FA8]  }
0x30: {  	s3 =	sld [smem:$0x3FAB]  }
0x31: {  	[smem:$0x3FB4] =	sst s10  }
0x32: {  	s10 =	sld [smem:$0x3FB2];
	_ =	sdelay $0x3  }
0x33: {  	p0 =	seq.s32 s10, $0x1;
	s10 =	sld [smem:$0x3FB4];
	_ =	sdelay $0x3  }
0x34: {  	[smem:$0x3FB4] =	sst s10  }
0x35: {  	s10 =	sld [smem:$0x3FB3];
	_ =	sdelay $0x3  }
0x36: {  	p1 =	seq.s32 s10, $0x1;
	s10 =	sld [smem:$0x3FB4];
	_ =	sdelay $0x3  }
0x37: {  	[smem:$0x3FB4] =	sst s10  }
0x38: {  	s10 =	sld [smem:$0x3FB5]  }
0x39: {  	_ = 	snop;
	(pc) =	sbr.ind lr, $3  }
0x3a: {  	_ = 	snop  }
0x3b: {  	_ = 	snop  }
0x3c: {  	p2 =	seq.s32 s10, $0x1;
	s10 =	sld [smem:$0x3FB4]  }
0x3d: {  	_ =	shalt  }
0x3e: {  	_ =	shalt  }
0x3f: {  	_ =	shalt  }
0x40: {  	_ =	shalt  }
0x41: {  	_ =	shalt  }
0x42: {  	_ =	shalt  }
0x43: {  	_ =	shalt  }
0x44: {  	_ =	shalt  }
0x45: {  	_ =	shalt  }
0x46: {  	_ =	shalt  }
0x47: {  	_ =	shalt  }
0x48: {  	_ =	shalt  }
0x49: {  	_ =	shalt  }
0x4a: {  	_ =	shalt  }
0x4b: {  	_ =	shalt  }
0x4c: {  	_ =	shalt  }
0x4d: {  	_ =	shalt  }
0x4e: {  	_ =	shalt  }
0x4f: {  	_ =	shalt  }
0x50: {  	_ =	shalt  }
0x51: {  	_ =	shalt  }
0x52: {  	_ =	shalt  }
0x53: {  	_ =	shalt  }
0x54: {  	_ =	shalt  }
0x55: {  	_ =	shalt  }
0x56: {  	_ =	shalt  }
0x57: {  	_ =	shalt  }
0x58: {  	_ =	shalt  }
0x59: {  	_ =	shalt  }
0x5a: {  	_ =	shalt  }
0x5b: {  	_ =	shalt  }
0x5c: {  	_ =	shalt  }
0x5d: {  	_ =	shalt  }
0x5e: {  	_ =	shalt  }
0x5f: {  	_ =	shalt  }
0x60: {  	_ =	shalt  }
0x61: {  	_ =	shalt  }
0x62: {  	_ =	shalt  }
0x63: {  	_ =	shalt  }
0x64: {  	_ =	shalt  }
0x65: {  	_ =	shalt  }
0x66: {  	_ =	shalt  }
0x67: {  	_ =	shalt  }
0x68: {  	_ =	shalt  }
0x69: {  	_ =	shalt  }
0x6a: {  	_ =	shalt  }
0x6b: {  	_ =	shalt  }
0x6c: {  	_ =	shalt  }
0x6d: {  	_ =	shalt  }
0x6e: {  	_ =	shalt  }
0x6f: {  	_ =	shalt  }
0x70: {  	_ =	shalt  }
0x71: {  	_ =	shalt  }
0x72: {  	_ =	shalt  }
0x73: {  	_ =	shalt  }
0x74: {  	_ =	shalt  }
0x75: {  	_ =	shalt  }
0x76: {  	_ =	shalt  }
0x77: {  	_ =	shalt  }
0x78: {  	_ =	shalt  }
0x79: {  	_ =	shalt  }
0x7a: {  	_ =	shalt  }
0x7b: {  	_ =	shalt  }
0x7c: {  	_ =	shalt  }
0x7d: {  	_ =	shalt  }
0x7e: {  	_ =	shalt  }
0x7f: {  	_ =	shalt  }
0x80: {  	_ =	shalt  }
0x81: {  	_ =	shalt  }
0x82: {  	_ =	shalt  }
0x83: {  	_ =	shalt  }
0x84: {  	_ =	shalt  }
0x85: {  	_ =	shalt  }
0x86: {  	_ =	shalt  }
0x87: {  	_ =	shalt  }
.Lfunc_end0:
.L_simem_size_0:
called_computation_lowered:
.L_overlay_start_0:
0x88: {  	s2 =	sld [smem:$0x3FD9]  }
0x89: {  	s3 =	sld [smem:$0x3FFE];
	_ =	sdelay $0x1  }
0x8a: {  	s1 =	srdreg.scid  }
0x8b: {  	s0 =	sand.u32 $0x1, s1  }
0x8c: {  	s17 =	sshll.u32 s0, $0xA;
	s2 =	sadd.s32 s3, s2  }
0x8d: {  	s2 =	sadd.s32 s2, s17  }
0x8e: {  	[smem:$0x3FC0] =	sst s2  }
0x8f: {  	_ = 	snop  }
0x90: {  	s2 =	sld [smem:$0x3FD0];
	(tm) =	ssettm $0x1  }
0x91: {  	s18 =	sld [smem:$0x3FFB];
	_ =	sdelay $0x3  }
0x92: {  	_ =	strace s18  }
0x93: {  	s3 =	sld [smem:$0x3FFC];
	_ =	sdelay $0x3  }
0x94: {  	_ =	strace s3  }
0x95: {  	s3 =	sld [smem:$0x3FFD];
	_ =	sdelay $0x3  }
0x96: {  	_ =	strace s3  }
0x97: {  	_ =	strace $0x8FFFFFFF  }
0x98: {  	s19 =	sld [smem:$0x3FDB];
	_ =	sdelay $0x1  }
0x99: {  	s4 =	simm.s32 $_scs_section_size  }
0x9a: {  	s5 =	simm.s32 $_size__tile_overlayer_lowered;
	s6 =	simm.s32 $_tile_overlayer_lowered  }
0x9b: {  	s22 =	simm.s32 $0x1BFF;
	s21 =	sshll.u32 s6, $0x1;
	s3 =	sadd.s32 s4, s19  }
0x9c: {  	s7 =	simm.s32 $0x0;
	s20 =	sshll.u32 s5, $0x1;
	s5 =	sadd.s32 s21, s3  }
0x9d: {  	[timem:s7], [sflag:s22] =	dma.local [hbm:s5], s20  }
0x9e: {  	_ =	swait.ge [sflag:s22], s20  }
0x9f: {  	s4 =	ssub.s32 $0x0, s20;
	[sflag:s22] =	ssyncset.done $0x0  }
0xa0: {  	[sflag:s22] =	ssyncadd.s32 s4;
	_ =	sdelay $0x1  }
0xa1: {  	s23 =	simm.s32 $0x1B8B  }
0xa2: {  	_ =	swait.ge [sflag:s23], $0x1  }
0xa3: {  	[sflag:s23] =	ssyncset.done $0x0  }
0xa4: {  	s25 =	simm.s32 $0x1B8E;
	s24 =	sld [smem:$0x3FFE];
	[sflag:s23] =	ssyncadd.s32 $0xFFFFFFFF  }
0xa5: {  	s26 =	simm.s32 $execute0_lowered;
	[smem:$0x3FD2] =	sst s25  }
0xa6: {  	s5 =	sshll.u32 s26, $0x1;
	_ =	strace $0x80000046;
	[dreg:$0x1] =	wrdreg $0xFFFFFFFF  }
0xa7: {  	s28 =	simm.s32 $_size_execute0_lowered;
	s3 =	sadd.s32 s3, s5;
	[dreg:$0x0] =	wrdreg $0x0  }
0xa8: {  	s5 =	sshll.u32 s28, $0x1;
	[dreg:$0x2] =	wrdreg s3  }
0xa9: {  	[dreg:$0x3] =	wrdreg s5  }
0xaa: {  	[dreg:$0x4] =	wrdreg $0xC0  }
0xab: {  	_ =	task [dreg:s7], $0x5FFFF  }
0xac: {  	[dreg:$0x1] =	wrdreg $0xFFFFFFFF  }
0xad: {  	[dreg:$0x0] =	wrdreg $0x60  }
0xae: {  	[dreg:$0x2] =	wrdreg s2  }
0xaf: {  	[dreg:$0x3] =	wrdreg s24  }
0xb0: {  	[dreg:$0x4] =	wrdreg $0x33000  }
0xb1: {  	[dreg:$0x5] =	wrdreg $0x9  }
0xb2: {  	_ =	task.clear_ibuf [dreg:s7], $0x6FFFF;
	_ =	strace $0x90000046  }
0xb3: {  	s29 =	simm.s32 $0x9;
	_ =	strace $0x80000048  }
0xb4: {  	_ =	swait.ge [sflag:s29], $0x1  }
0xb5: {  	[sflag:s29] =	ssyncadd.s32 $0xFFFFFFFF  }
0xb6: {  	_ =	strace $0x90000048  }
0xb7: {  	_ =	sfence  }
0xb8: {  	s30 =	sld [smem:$0x0];
	_ =	sdelay $0x2  }
0xb9: {  	s31 =	sshll.u32 s1, $0xD;
	s1 =	sshrl.u32 s1, $0x2  }
0xba: {  	s3 =	sand.u32 $0x4000, s31;
	s1 =	sadd.s32 s1, s30  }
0xbb: {  	s0 =	sor.u32 s3, s0;
	s1 =	sshll.u32 s1, $0x11  }
0xbc: {  	s0 =	sor.u32 s1, s0  }
0xbd: {  	s0 =	sadd.s32 $0x8F2B, s0  }
0xbe: {  	[sflag:s0] =	ssyncadd.remote.s32 $0x1  }
0xbf: {  	_ =	sfence.sel $0xFFFF  }
0xc0: {  	[dreg:$0x0] =	wrdreg $0xFFFFFFFF;
	(pc) =	sbr.abs _section_cstart, $3  }
0xc1: {  	[dreg:$0x1] =	wrdreg $0xFFFFFFFF  }
0xc2: {  	_ =	task.clear_ibuf [dreg:s7], $0x2FFFF;
	_ =	strace $0x9FFFFFFF  }
0xc3: {  	(tm) =	ssettm $0x7FFFFFFF  }
tec
execute0_lowered:
.L_overlay_start_1:
0x0: {  	(tag) =	ssettag $0x1  }
0x1: {  	s7 =	rddreg [dreg:$0x0]  }
0x2: {  	s5 =	rddreg [dreg:$0x1]  }
0x3: {  	s2 =	rddreg [dreg:$0x2]  }
0x4: {  	s0 =	rddreg [dreg:$0x3];
	s1 =	stileid.u32  }
0x5: {  	s4 =	srdreg.scid;
	s3 =	simm.s32 $0x0;
	s13 =	simm.s32 $0x70  }
0x6: {  	s14 =	simm.s32 $0x1;
	s15 =	simm.s32 $0x0;
	s6 =	smul.u32 $0x278, s1  }
0x7: {  	s8 =	sand.u32 $0x1, s4;
	[smem:$0x7FF] =	sst s3;
	s4 =	sadd.s32 $0x17C00, s5  }
0x8: {  	s9 =	smul.u32 $0x2780, s8;
	_ =	strace $0x80000047;
	s11 =	sshll.u32 s8, $0x4  }
0x9: {  	s8 =	ssub.s32 $0x2, s8;
	s10 =	sshrl.u32 s6, $0x3;
	s11 =	sor.u32 s1, s11  }
0xa: {  	s31 =	sshrl.u32 s8, $0x1;
	s10 =	sadd.s32 s10, s5;
	s9 =	sadd.s32 s6, s9  }
0xb: {  	s11 =	smul.u32 $0x600, s11;
	s12 =	ssub.s32 s8, s31;
	s9 =	sshrl.u32 s9, $0x3  }
0xc: {  	s6 =	sadd.s32 s6, s2;
	s9 =	sadd.s32 s9, s5;
	s5 =	sadd.s32 $0x17600, s10  }
0xd: {  	s7 =	sadd.s32 s7, s11;
	s10 =	simm.s32 $0x3080;
	s11 =	simm.s32 $0x2  }
0xe: {  	s8 =	sadd.s32 $0x17E00, s9;
	s9 =	smax.u32 s12, $0x1;
	s12 =	simm.s32 $0x3000  }
.LBB2_1:
0xf: {  	[tilespmem:s10], [sflag:$0x2] =	stream.linear.gather [hbm4b:s5+s3], $0x278, $0x38;
	[tilespmem:$0x3578] =	vst v63  }
0x10: {  	_ =	swait.ge [sflag:s11], $0x278  }
0x11: {  	[sflag:s11] =	ssyncset.done $0x0  }
0x12: {  	[sflag:s11] =	ssyncadd.s32 $0xFFFFFD88  }
0x13: {  	[spmem:s6] =	stream.linear.scatter [tilespmem:s10], [sflag:$0x2], $0x278, $0x38;
	[tilespmem:$0x3578] =	vst v63  }
0x14: {  	_ =	swait.ge [sflag:s11], $0x278  }
0x15: {  	[sflag:s11] =	ssyncset.done $0x0  }
0x16: {  	[sflag:s11] =	ssyncadd.s32 $0xFFFFFD88  }
0x17: {  	[tilespmem:s12], [sflag:$0x2] =	stream.linear.gather [hbm4b:s4+s3], $0x80, $0x38;
	[tilespmem:$0x3578] =	vst v63  }
0x18: {  	_ =	swait.ge [sflag:s11], $0x80  }
0x19: {  	[sflag:s11] =	ssyncset.done $0x0  }
0x1a: {  	[sflag:s11] =	ssyncadd.s32 $0xFFFFFF80  }
0x1b: {  	[tilespmem:s3], [sflag:$0x2] =	stream.linear.gather [hbm4b:s7+s3], $0x2E00, $0x38;
	[tilespmem:$0x3578] =	vst v63  }
0x1c: {  	_ =	swait.ge [sflag:s11], $0x2E00  }
0x1d: {  	[sflag:s11] =	ssyncset.done $0x0  }
0x1e: {  	[sflag:s11] =	ssyncadd.s32 $0xFFFFD200  }
0x1f: {  	s16 =	simm.s32 $0x0;
	[bflag:$0x0] =	sbarrier.arrive $0xFFFF  }
0x20: {  	[spmem:s2] =	stream.indirect.scatter.add.f32 [tilespmem:s12], [sflag:$0x1], $0x1, s16, s13, $0xb8;
	[tilespmem:$0x3578] =	vst v63  }
0x21: {  	s29 =	simm.s32 $0x80  }
0x22: {  	[spmem:s2] =	stream.indirect.scatter.add.f32 [tilespmem:s12], [sflag:$0x1], $0x1, s29, s13, $0xb8;
	[tilespmem:$0x3578] =	vst v63  }
0x23: {  	s30 =	simm.s32 $0x100  }
0x24: {  	[spmem:s2] =	stream.indirect.scatter.add.f32 [tilespmem:s12], [sflag:$0x1], $0x1, s30, s13, $0xb8;
	[tilespmem:$0x3578] =	vst v63  }
0x25: {  	s31 =	simm.s32 $0x180  }
0x26: {  	[spmem:s2] =	stream.indirect.scatter.add.f32 [tilespmem:s12], [sflag:$0x1], $0x1, s31, s13, $0xb8;
	[tilespmem:$0x3578] =	vst v63  }
0x27: {  	_ =	swait.ge [sflag:s14], $0x70  }
0x28: {  	[sflag:s14] =	ssyncset.done $0x0  }
0x29: {  	[sflag:s14] =	ssyncadd.s32 $0xFFFFFF90  }
0x2a: {  	_ =	swait.ge [sflag:s14], $0x70  }
0x2b: {  	[sflag:s14] =	ssyncset.done $0x0  }
0x2c: {  	[sflag:s14] =	ssyncadd.s32 $0xFFFFFF90  }
0x2d: {  	_ =	swait.ge [sflag:s14], $0x70  }
0x2e: {  	[sflag:s14] =	ssyncset.done $0x0  }
0x2f: {  	[sflag:s14] =	ssyncadd.s32 $0xFFFFFF90  }
0x30: {  	_ =	swait.ge [sflag:s14], $0x70  }
0x31: {  	s17 =	simm.s32 $0x1000;
	s16 =	simm.s32 $0x800;
	[sflag:s14] =	ssyncset.done $0x0  }
.LBB2_2:
0x32: {  	s18 =	sshra.s32 s16, $0x2  }
0x33: {  	[sflag:s14] =	ssyncadd.s32 $0xFFFFFF90;
	s16 =	smov.u32 s17;
	s19 =	sadd.s32 $0x800, s17  }
0x34: {  	[spmem:s2] =	stream.indirect.scatter.add.f32 [tilespmem:s12], [sflag:$0x1], $0x1, s18, s13, $0xb8;
	[tilespmem:$0x3578] =	vst v63  }
0x35: {  	p0 =	sne.s32 s17, $0xB000;
	s17 =	sadd.s32 $0x80, s18  }
0x36: {  	[spmem:s2] =	stream.indirect.scatter.add.f32 [tilespmem:s12], [sflag:$0x1], $0x1, s17, s13, $0xb8;
	[tilespmem:$0x3578] =	vst v63  }
0x37: {  	s17 =	sadd.s32 $0x100, s18  }
0x38: {  	[spmem:s2] =	stream.indirect.scatter.add.f32 [tilespmem:s12], [sflag:$0x1], $0x1, s17, s13, $0xb8;
	[tilespmem:$0x3578] =	vst v63  }
0x39: {  	s17 =	sadd.s32 $0x180, s18  }
0x3a: {  	[spmem:s2] =	stream.indirect.scatter.add.f32 [tilespmem:s12], [sflag:$0x1], $0x1, s17, s13, $0xb8;
	[tilespmem:$0x3578] =	vst v63  }
0x3b: {  	_ =	swait.ge [sflag:s14], $0x70  }
0x3c: {  	[sflag:s14] =	ssyncset.done $0x0  }
0x3d: {  	[sflag:s14] =	ssyncadd.s32 $0xFFFFFF90  }
0x3e: {  	_ =	swait.ge [sflag:s14], $0x70  }
0x3f: {  	[sflag:s14] =	ssyncset.done $0x0  }
0x40: {  	[sflag:s14] =	ssyncadd.s32 $0xFFFFFF90  }
.Ltmp0:
0x41: {  	_ =	swait.ge [sflag:s14], $0x70;
	(pc) =	sbr.rel @p0 .LBB2_2-.Ltmp0, $4  }
0x42: {  	[sflag:s14] =	ssyncset.done $0x0  }
0x43: {  	[sflag:s14] =	ssyncadd.s32 $0xFFFFFF90  }
0x44: {  	_ =	swait.ge [sflag:s14], $0x70  }
0x45: {  	s17 =	smov.u32 s19;
	[sflag:s14] =	ssyncset.done $0x0  }
0x46: {  	s16 =	sshra.s32 s16, $0x2;
	[sflag:s14] =	ssyncadd.s32 $0xFFFFFF90  }
0x47: {  	[spmem:s2] =	stream.indirect.scatter.add.f32 [tilespmem:s12], [sflag:$0x1], $0x1, s16, s13, $0xb8;
	[tilespmem:$0x3578] =	vst v63  }
0x48: {  	s17 =	sadd.s32 $0x80, s16  }
0x49: {  	[spmem:s2] =	stream.indirect.scatter.add.f32 [tilespmem:s12], [sflag:$0x1], $0x1, s17, s13, $0xb8;
	[tilespmem:$0x3578] =	vst v63  }
0x4a: {  	s31 =	sadd.s32 $0x100, s16  }
0x4b: {  	[spmem:s2] =	stream.indirect.scatter.add.f32 [tilespmem:s12], [sflag:$0x1], $0x1, s31, s13, $0xb8;
	[tilespmem:$0x3578] =	vst v63  }
0x4c: {  	s16 =	sadd.s32 $0x180, s16  }
0x4d: {  	[spmem:s2] =	stream.indirect.scatter.add.f32 [tilespmem:s12], [sflag:$0x1], $0x1, s16, s13, $0xb8;
	[tilespmem:$0x3578] =	vst v63  }
0x4e: {  	_ =	swait.ge [sflag:s14], $0x70  }
0x4f: {  	[sflag:s14] =	ssyncset.done $0x0  }
0x50: {  	[sflag:s14] =	ssyncadd.s32 $0xFFFFFF90  }
0x51: {  	_ =	swait.ge [sflag:s14], $0x70  }
0x52: {  	[sflag:s14] =	ssyncset.done $0x0  }
0x53: {  	[sflag:s14] =	ssyncadd.s32 $0xFFFFFF90  }
0x54: {  	_ =	swait.ge [sflag:s14], $0x70  }
0x55: {  	[sflag:s14] =	ssyncset.done $0x0  }
0x56: {  	[sflag:s14] =	ssyncadd.s32 $0xFFFFFF90  }
0x57: {  	_ =	swait.ge [sflag:s14], $0x70  }
0x58: {  	[sflag:s14] =	ssyncset.done $0x0  }
0x59: {  	[sflag:s14] =	ssyncadd.s32 $0xFFFFFF90  }
0x5a: {  	[bflag:$0x0] =	sbarrier.arrive $0xFFFF  }
0x5b: {  	[tilespmem:s10], [sflag:$0x2] =	stream.linear.gather [spmem:s6], $0x278, $0x38;
	[tilespmem:$0x3578] =	vst v63  }
0x5c: {  	s15 =	sadd.s32 $0x1, s15;
	_ =	swait.ge [sflag:s11], $0x278  }
0x5d: {  	p0 =	sne.s32 s15, s9;
	[sflag:s11] =	ssyncset.done $0x0  }
.Ltmp1:
0x5e: {  	[sflag:s11] =	ssyncadd.s32 $0xFFFFFD88;
	(pc) =	sbr.rel @p0 .LBB2_1-.Ltmp1, $4  }
0x5f: {  	[hbm4b:s8+s3] =	stream.linear.scatter [tilespmem:s10], [sflag:$0x2], $0x278, $0x38;
	[tilespmem:$0x3578] =	vst v63  }
0x60: {  	_ =	swait.ge [sflag:s11], $0x278  }
0x61: {  	[sflag:s11] =	ssyncset.done $0x0  }
0x62: {  	[sflag:s11] =	ssyncadd.s32 $0xFFFFFD88  }
0x63: {  	_ =	sfence.sel $0x180000  }
0x64: {  	[bflag:$0x0] =	sbarrier.arrive $0xFFFF  }
0x65: {  	p0 =	sne.s32 s1, $0x0;
	_ =	strace $0x90000047  }
0x66: {  	s0 =	sadd.s32 @!p0 $0x100000, s0;
	[bflag:$0x2] =	sbarrier.arrive $0xFFFF  }
0x67: {  	[sflag:s0] =	ssyncadd.tile.s32 @!p0 $0x1;
	_ =	shalt  }
.Lfunc_end2:
_tile_overlayer_lowered:
.L_overlay_start_2:
0x68: {  	(tag) =	ssettag $0x2  }
0x69: {  	s0 =	rddreg [dreg:$0x0];
	s2 =	stileid.u32  }
0x6a: {  	s1 =	rddreg [dreg:$0x1];
	p0 =	sne.s32 s2, $0x0  }
0x6b: {  	s3 =	rddreg [dreg:$0x2];
	[bflag:$0x3] =	sbarrier.arrive $0xFFFF;
	s2 =	simm.s32 @!p0 $0x1C02  }
0x6c: {  	[timem:s3], [sflag:s2] =	dma.local @!p0 [hbm:s0], s1  }
0x6d: {  	s0 =	simm.s32 @!p0 $0x2  }
0x6e: {  	_ =	swait.ge @!p0 [sflag:s0], s1  }
0x6f: {  	s1 =	ssub.s32 @!p0 $0x0, s1;
	[sflag:s0] =	ssyncset.done @!p0 $0x0  }
0x70: {  	[sflag:s0] =	ssyncadd.s32 @!p0 s1  }
0x71: {  	[bflag:$0x3] =	sbarrier.arrive $0xFFFF  }
0x72: {  	_ =	shalt  }

</sc_bundles>
